<compile_context>
chip_gen: v7x
topology: tpu7x:2x2x1
jax: 0.10.2.dev20260603
libtpu: 0.0.44.dev20260713+nightly
codegen_flags: <defaults>
</compile_context>

<pallas_src>
import functools

import jax
import jax.numpy as jnp
from jax import lax
from jax.experimental import pallas as pl
from jax.experimental.pallas import tpu as pltpu
from jax.experimental.pallas import tpu_sc as plsc

NC = 2
NS = 16
NW = NC * NS


def _cdiv(a, b):
    return (a + b - 1) // b


CH1 = 500
C1 = 80
SEG = 40


def _make_scatter(n_pad, dh):
    mesh = plsc.VectorSubcoreMesh(core_axis_name="c", subcore_axis_name="s")

    @functools.partial(
        pl.kernel,
        out_type=jax.ShapeDtypeStruct((NC * n_pad, dh), jnp.float32),
        mesh=mesh,
        scratch_types=[
            pltpu.VMEM((SEG, CH1), jnp.int32),
            pltpu.VMEM((SEG, CH1), jnp.int32),
            pltpu.VMEM((CH1, dh), jnp.float32),
            pltpu.VMEM_SHARED((n_pad, dh), jnp.float32),
            pltpu.SemaphoreType.DMA,
        ],
        compiler_params=pltpu.CompilerParams(use_tc_tiling_on_sc=False),
    )
    def scatter_k(x_hbm, gidx_hbm, sidx_hbm, zeros_hbm, out_hbm,
                  gidx_v, sidx_v, rows_v, acc_sh, gsem):
        cid = lax.axis_index("c")
        sid = lax.axis_index("s")
        rpt = n_pad // NS
        row0 = pl.multiple_of(sid * rpt, 8)
        pltpu.sync_copy(zeros_hbm.at[pl.ds(row0, rpt)],
                        acc_sh.at[pl.ds(row0, rpt)])
        plsc.subcore_barrier()

        def body(ch, carry):
            pltpu.async_copy(x_hbm.at[gidx_v.at[ch]], rows_v, gsem).wait()
            pltpu.sync_copy(rows_v, acc_sh.at[sidx_v.at[ch]], add=True)
            return carry

        for seg in range(C1 // SEG):
            grow = cid * NS * C1 + sid * C1 + seg * SEG
            srow = sid * C1 + seg * SEG
            pltpu.sync_copy(gidx_hbm.at[pl.ds(grow, SEG)], gidx_v)
            pltpu.sync_copy(sidx_hbm.at[pl.ds(srow, SEG)], sidx_v)
            lax.fori_loop(0, SEG, body, 0)
        plsc.subcore_barrier()
        pltpu.sync_copy(acc_sh.at[pl.ds(row0, rpt)],
                        out_hbm.at[pl.ds(pl.multiple_of(cid * n_pad + sid * rpt, 8),
                                         rpt)])

    return scatter_k


CH2 = 400
C2A = 25


def _make_gather(n_pad, d, n_edges):
    mesh = plsc.VectorSubcoreMesh(core_axis_name="c", subcore_axis_name="s")

    @functools.partial(
        pl.kernel,
        out_type=jax.ShapeDtypeStruct((n_edges, d), jnp.float32),
        mesh=mesh,
        scratch_types=[
            pltpu.VMEM((C2A, CH2), jnp.int32),
            pltpu.VMEM((C2A, CH2), jnp.int32),
            [pltpu.VMEM((CH2, d), jnp.float32) for _ in range(2)],
            [pltpu.SemaphoreType.DMA for _ in range(2)],
            [pltpu.SemaphoreType.DMA for _ in range(2)],
            [pltpu.SemaphoreType.DMA for _ in range(2)],
        ],
        compiler_params=pltpu.CompilerParams(use_tc_tiling_on_sc=False),
    )
    def gather_k(y1_hbm, y2_hbm, e_hbm, sidx_hbm, ridx_hbm, out_hbm,
                 sidx_v, ridx_v, buf_v, sem, sem2, stsem):
        cid = lax.axis_index("c")
        sid = lax.axis_index("s")
        wid = cid * NS + sid
        pltpu.sync_copy(sidx_hbm.at[wid], sidx_v)
        pltpu.sync_copy(ridx_hbm.at[wid], ridx_v)
        base = wid * C2A * CH2

        def body(g, carry):
            st = [None, None]
            for bi in range(2):
                ch = g * 2 + bi
                rows = pl.ds(base + ch * CH2, CH2)
                pltpu.sync_copy(e_hbm.at[rows], buf_v[bi])
                pltpu.async_copy(y1_hbm.at[sidx_v.at[ch]], buf_v[bi],
                                 sem[bi], add=True).wait()
                pltpu.async_copy(y2_hbm.at[ridx_v.at[ch]], buf_v[bi],
                                 sem2[bi], add=True).wait()
                st[bi] = pltpu.async_copy(buf_v[bi], out_hbm.at[rows],
                                          stsem[bi])
            st[0].wait()
            st[1].wait()
            return carry

        lax.fori_loop(0, C2A // 2, body, 0)

        ch = C2A - 1
        rows = pl.ds(base + ch * CH2, CH2)
        pltpu.sync_copy(e_hbm.at[rows], buf_v[0])
        pltpu.async_copy(y1_hbm.at[sidx_v.at[ch]], buf_v[0],
                         sem[0], add=True).wait()
        pltpu.async_copy(y2_hbm.at[ridx_v.at[ch]], buf_v[0],
                         sem2[0], add=True).wait()
        pltpu.sync_copy(buf_v[0], out_hbm.at[rows])

    return gather_k


def _node_matmul(agg, w1a, w1b, w2a, w2b, n_pad, dh, d):
    br = n_pad // 8
    grid = (8,)

    def body(pa_ref, pb_ref, w1a_ref, w1b_ref, w2a_ref, w2b_ref,
             y1_ref, y2_ref):
        pa = pa_ref[...]
        pb = pb_ref[...]
        y1_ref[...] = (jnp.dot(pa, w1a_ref[...], preferred_element_type=jnp.float32)
                       + jnp.dot(pb, w1b_ref[...], preferred_element_type=jnp.float32))
        y2_ref[...] = (jnp.dot(pa, w2a_ref[...], preferred_element_type=jnp.float32)
                       + jnp.dot(pb, w2b_ref[...], preferred_element_type=jnp.float32))

    wspec = pl.BlockSpec((dh, d), lambda i: (0, 0))
    y1, y2 = pl.pallas_call(
        body,
        grid=grid,
        in_specs=[
            pl.BlockSpec((br, dh), lambda i: (i, 0)),
            pl.BlockSpec((br, dh), lambda i: (i + 8, 0)),
            wspec, wspec, wspec, wspec,
        ],
        out_specs=[
            pl.BlockSpec((br, d), lambda i: (i, 0)),
            pl.BlockSpec((br, d), lambda i: (i, 0)),
        ],
        out_shape=[
            jax.ShapeDtypeStruct((n_pad, d), jnp.float32),
            jax.ShapeDtypeStruct((n_pad, d), jnp.float32),
        ],
    )(agg, agg, w1a, w1b, w2a, w2b)
    return y1, y2


def _edge_mlp(edge_attr, w3, b, n_edges, d_edge, d):
    br = 1280
    grid = (n_edges // br,)

    def body(ea_ref, w3_ref, b_ref, o_ref):
        o_ref[...] = (jnp.dot(ea_ref[...], w3_ref[...],
                              preferred_element_type=jnp.float32)
                      + b_ref[...])

    return pl.pallas_call(
        body,
        grid=grid,
        in_specs=[
            pl.BlockSpec((br, d_edge), lambda i: (i, 0)),
            pl.BlockSpec((d_edge, d), lambda i: (0, 0)),
            pl.BlockSpec((1, d), lambda i: (0, 0)),
        ],
        out_specs=pl.BlockSpec((br, d), lambda i: (i, 0)),
        out_shape=jax.ShapeDtypeStruct((n_edges, d), jnp.float32),
    )(edge_attr, w3, b)


def kernel(x, edge_index, edge_attr, W, b):
    n_nodes, d = x.shape
    n_edges, d_edge = edge_attr.shape

    dh = d // 2
    s = edge_index[0].astype(jnp.int32)
    r = edge_index[1].astype(jnp.int32)

    gidx = jnp.concatenate([r, s])
    gall = jnp.concatenate([gidx, gidx + n_nodes]).reshape(NC * NS * C1, CH1)
    sall = jnp.concatenate([s, r]).reshape(NS * C1, CH1)
    xcat = jnp.concatenate([x[:, :dh], x[:, dh:]], axis=0)

    n_pad = 128 * _cdiv(n_nodes, 128)
    zeros = jnp.zeros((n_pad, dh), jnp.float32)

    agg = _make_scatter(n_pad, dh)(xcat, gall, sall, zeros)

    y1, y2 = _node_matmul(agg, W[:dh], W[dh:d], W[d:d + dh], W[d + dh:2 * d],
                          n_pad, dh, d)

    e_term = _edge_mlp(edge_attr, W[2 * d:], b.reshape(1, d),
                       n_edges, d_edge, d)

    return _make_gather(n_pad, d, n_edges)(y1, y2, e_term,
                                           s.reshape(NW, C2A, CH2),
                                           r.reshape(NW, C2A, CH2))

# --- scband reference (transcript-rebuilt; emitter-appended) ---
"""Pipeline reference for scband-edge-block-15599321219563 (READ-ONLY COPY).

The authoritative reference and input builder live on the scoring server;
editing this copy changes nothing except your own understanding.
"""

import jax, jax.numpy as jnp
import numpy as np

N_NODES = 10000
N_EDGES = 320000
D_FEAT = 128
D_EDGE = 16
D_IN = 2 * D_FEAT + D_EDGE  # 272
D_OUT = 128


def setup_inputs(seed: int = 0) -> dict:
    key = jax.random.key(seed)
    k1, k2, k3, k4, k5 = jax.random.split(key, 5)
    x = jax.random.normal(k1, (N_NODES, D_FEAT), dtype=jnp.float32)
    edge_index = jax.random.randint(k2, (2, N_EDGES), 0, N_NODES, dtype=jnp.int64)
    edge_attr = jax.random.normal(k3, (N_EDGES, D_EDGE), dtype=jnp.float32)
    # parameters of the custom_func MLP: Linear(272 -> 128)
    W = jax.random.normal(k4, (D_IN, D_OUT), dtype=jnp.float32) * (1.0 / np.sqrt(D_IN))
    b = jax.random.normal(k5, (D_OUT,), dtype=jnp.float32) * 0.01
    return {"x": x, "edge_index": edge_index, "edge_attr": edge_attr, "W": W, "b": b}


def reference(x, edge_index, edge_attr, W, b):
    senders = edge_index[0]
    receivers = edge_index[1]
    # two-way connection index lists
    twoway_in = jnp.concatenate([senders, receivers], axis=0)
    twoway_out = jnp.concatenate([receivers, senders], axis=0)
    # scatter_add of neighbour node features into each node slot
    gathered = jnp.take(x, twoway_out, axis=0)
    node_avg_neighbour = jnp.zeros((x.shape[0], x.shape[1]), dtype=x.dtype).at[twoway_in].add(gathered)
    # gather per-edge endpoint aggregates
    senders_attr = jnp.take(node_avg_neighbour, senders, axis=0)
    receivers_attr = jnp.take(node_avg_neighbour, receivers, axis=0)
    collected_edges = jnp.concatenate([senders_attr, receivers_attr, edge_attr], axis=1)
    # custom_func net: Linear(272 -> 128)
    edge_attr_new = collected_edges @ W + b
    return edge_attr_new

if __name__ == "__main__":
    import jax
    _d = setup_inputs()
    print(jax.jit(kernel)(*tuple(_d.values())))

</pallas_src>

<mosaic_0001>
#map = affine_map<(d0, d1) -> (0, 0)>
module attributes {stable_mosaic.version = 14 : i64} {
  func.func @scatter_k(%arg0: i32, %arg1: i32, %arg2: memref<20000x64xf32, #tpu.memory_space<hbm>>, %arg3: memref<2560x500xi32, #tpu.memory_space<hbm>>, %arg4: memref<1280x500xi32, #tpu.memory_space<hbm>>, %arg5: memref<10112x64xf32, #tpu.memory_space<hbm>>, %arg6: memref<20224x64xf32, #tpu.memory_space<hbm>>, %arg7: memref<40x500xi32, #tpu.memory_space<vmem>>, %arg8: memref<40x500xi32, #tpu.memory_space<vmem>>, %arg9: memref<500x64xf32, #tpu.memory_space<vmem>>, %arg10: memref<10112x64xf32, #tpu.memory_space<vmem_shared>>, %arg11: memref<!tpu.dma_semaphore, #tpu.memory_space<semaphore_mem>>) attributes {dimension_semantics = [#tpu.dimension_semantics<core_parallel>, #tpu.dimension_semantics<subcore_parallel>], iteration_bounds = array<i64: 2, 16>, scalar_prefetch = 0 : i64, scratch_operands = 5 : i64, tpu.core_type = #tpu.core_type<sc_vector_subcore>, window_params = [{transform_indices = #map}, {transform_indices = #map}, {transform_indices = #map}, {transform_indices = #map}, {transform_indices = #map}]} {
    %mul3A = arith.constant 632 : i32
    %mul3A_0 = arith.muli %arg1, %mul3A : i32
    %multiple_of3A = tpu.assume_multiple %mul3A_0, 8 : i32
    "tpu.region"() ({
      %run_scoped3A = tpu.sem_alloc : memref<!tpu.dma_semaphore, #tpu.memory_space<semaphore_mem>>
      %dma_start3A = arith.constant 0 : i32
      %dma_start3A_44 = tpu.memref_slice %arg10[%multiple_of3A, %dma_start3A] : memref<10112x64xf32, #tpu.memory_space<vmem_shared>> -> memref<632x64xf32, #tpu.memory_space<vmem_shared>>
      %dma_start3A_45 = arith.constant 0 : i32
      %dma_start3A_46 = tpu.memref_slice %arg5[%multiple_of3A, %dma_start3A_45] : memref<10112x64xf32, #tpu.memory_space<hbm>> -> memref<632x64xf32, #tpu.memory_space<hbm>>
      tpu.enqueue_dma source(%dma_start3A_46 : memref<632x64xf32, #tpu.memory_space<hbm>>) target(%dma_start3A_44 : memref<632x64xf32, #tpu.memory_space<vmem_shared>>) target_semaphore(%run_scoped3A : memref<!tpu.dma_semaphore, #tpu.memory_space<semaphore_mem>>)
      %dma_wait3A = arith.constant 0 : i32
      %dma_wait3A_47 = tpu.memref_slice %arg10[%multiple_of3A, %dma_wait3A] : memref<10112x64xf32, #tpu.memory_space<vmem_shared>> -> memref<632x64xf32, #tpu.memory_space<vmem_shared>>
      %dma_wait3A_48 = arith.constant 0 : i32
      %dma_wait3A_49 = tpu.memref_slice %arg5[%multiple_of3A, %dma_wait3A_48] : memref<10112x64xf32, #tpu.memory_space<hbm>> -> memref<632x64xf32, #tpu.memory_space<hbm>>
      tpu.wait_dma2 semaphore(%run_scoped3A : memref<!tpu.dma_semaphore, #tpu.memory_space<semaphore_mem>>) src(%dma_wait3A_49 : memref<632x64xf32, #tpu.memory_space<hbm>>) dst(%dma_wait3A_47 : memref<632x64xf32, #tpu.memory_space<vmem_shared>>)
      tpu.yield
    }) : () -> ()
    %barrier3A = arith.constant 0 : index
    tpu.barrier barrier_id(%barrier3A)
    %mul3A_1 = arith.constant 16 : i32
    %mul3A_2 = arith.muli %arg0, %mul3A_1 : i32
    %mul3A_3 = arith.constant 80 : i32
    %mul3A_4 = arith.muli %mul3A_2, %mul3A_3 : i32
    %mul3A_5 = arith.constant 80 : i32
    %mul3A_6 = arith.muli %arg1, %mul3A_5 : i32
    %add3A = arith.addi %mul3A_4, %mul3A_6 : i32
    %add3A_7 = arith.constant 0 : i32
    %add3A_8 = arith.addi %add3A, %add3A_7 : i32
    %mul3A_9 = arith.constant 80 : i32
    %mul3A_10 = arith.muli %arg1, %mul3A_9 : i32
    %add3A_11 = arith.constant 0 : i32
    %add3A_12 = arith.addi %mul3A_10, %add3A_11 : i32
    "tpu.region"() ({
      %run_scoped3A = tpu.sem_alloc : memref<!tpu.dma_semaphore, #tpu.memory_space<semaphore_mem>>
      %dma_start3A = arith.constant 0 : i32
      %dma_start3A_44 = tpu.memref_slice %arg3[%add3A_8, %dma_start3A] : memref<2560x500xi32, #tpu.memory_space<hbm>> -> memref<40x500xi32, #tpu.memory_space<hbm>>
      %dma_start3A_45 = arith.constant 0 : i32
      %dma_start3A_46 = tpu.memref_slice %arg3[%add3A_8, %dma_start3A_45] : memref<2560x500xi32, #tpu.memory_space<hbm>> -> memref<40x500xi32, #tpu.memory_space<hbm>>
      tpu.enqueue_dma source(%dma_start3A_46 : memref<40x500xi32, #tpu.memory_space<hbm>>) target(%arg7 : memref<40x500xi32, #tpu.memory_space<vmem>>) target_semaphore(%run_scoped3A : memref<!tpu.dma_semaphore, #tpu.memory_space<semaphore_mem>>)
      %dma_wait3A = arith.constant 0 : i32
      %dma_wait3A_47 = tpu.memref_slice %arg3[%add3A_8, %dma_wait3A] : memref<2560x500xi32, #tpu.memory_space<hbm>> -> memref<40x500xi32, #tpu.memory_space<hbm>>
      %dma_wait3A_48 = arith.constant 0 : i32
      %dma_wait3A_49 = tpu.memref_slice %arg3[%add3A_8, %dma_wait3A_48] : memref<2560x500xi32, #tpu.memory_space<hbm>> -> memref<40x500xi32, #tpu.memory_space<hbm>>
      tpu.wait_dma2 semaphore(%run_scoped3A : memref<!tpu.dma_semaphore, #tpu.memory_space<semaphore_mem>>) src(%dma_wait3A_49 : memref<40x500xi32, #tpu.memory_space<hbm>>) dst(%arg7 : memref<40x500xi32, #tpu.memory_space<vmem>>)
      tpu.yield
    }) : () -> ()
    "tpu.region"() ({
      %run_scoped3A = tpu.sem_alloc : memref<!tpu.dma_semaphore, #tpu.memory_space<semaphore_mem>>
      %dma_start3A = arith.constant 0 : i32
      %dma_start3A_44 = tpu.memref_slice %arg4[%add3A_12, %dma_start3A] : memref<1280x500xi32, #tpu.memory_space<hbm>> -> memref<40x500xi32, #tpu.memory_space<hbm>>
      %dma_start3A_45 = arith.constant 0 : i32
      %dma_start3A_46 = tpu.memref_slice %arg4[%add3A_12, %dma_start3A_45] : memref<1280x500xi32, #tpu.memory_space<hbm>> -> memref<40x500xi32, #tpu.memory_space<hbm>>
      tpu.enqueue_dma source(%dma_start3A_46 : memref<40x500xi32, #tpu.memory_space<hbm>>) target(%arg8 : memref<40x500xi32, #tpu.memory_space<vmem>>) target_semaphore(%run_scoped3A : memref<!tpu.dma_semaphore, #tpu.memory_space<semaphore_mem>>)
      %dma_wait3A = arith.constant 0 : i32
      %dma_wait3A_47 = tpu.memref_slice %arg4[%add3A_12, %dma_wait3A] : memref<1280x500xi32, #tpu.memory_space<hbm>> -> memref<40x500xi32, #tpu.memory_space<hbm>>
      %dma_wait3A_48 = arith.constant 0 : i32
      %dma_wait3A_49 = tpu.memref_slice %arg4[%add3A_12, %dma_wait3A_48] : memref<1280x500xi32, #tpu.memory_space<hbm>> -> memref<40x500xi32, #tpu.memory_space<hbm>>
      tpu.wait_dma2 semaphore(%run_scoped3A : memref<!tpu.dma_semaphore, #tpu.memory_space<semaphore_mem>>) src(%dma_wait3A_49 : memref<40x500xi32, #tpu.memory_space<hbm>>) dst(%arg8 : memref<40x500xi32, #tpu.memory_space<vmem>>)
      tpu.yield
    }) : () -> ()
    %scan3A = arith.constant 0 : i32
    %scan3A_13 = arith.constant 0 : i32
    %scan3A_14 = arith.constant 40 : i32
    %scan3A_15 = arith.addi %scan3A_13, %scan3A_14 : i32
    %scan3A_16 = arith.constant 1 : i32
    scf.for %scan3A_44 = %scan3A_13 to %scan3A_15 step %scan3A_16  : i32 {
      %dma_start3A = arith.constant 0 : i32
      %dma_start3A_45 = tpu.memref_slice %arg7[%scan3A_44, %dma_start3A] : memref<40x500xi32, #tpu.memory_space<vmem>> -> memref<1x500xi32, #tpu.memory_space<vmem>>
      %dma_start3A_46 = tpu.memref_squeeze %dma_start3A_45 : memref<1x500xi32, #tpu.memory_space<vmem>> -> memref<500xi32, #tpu.memory_space<vmem>>
      %dma_start3A_47 = arith.constant 0 : i32
      %dma_start3A_48 = arith.constant 0 : i32
      %dma_start3A_49 = tpu.memref_slice %arg2[%dma_start3A_47, %dma_start3A_48] : memref<20000x64xf32, #tpu.memory_space<hbm>> -> memref<20000x64xf32, #tpu.memory_space<hbm>>
      tpu.enqueue_indirect_dma source(%dma_start3A_49 : memref<20000x64xf32, #tpu.memory_space<hbm>>) target(%arg9 : memref<500x64xf32, #tpu.memory_space<vmem>>) offsets(%dma_start3A_46 : memref<500xi32, #tpu.memory_space<vmem>>) semaphore(%arg11 : memref<!tpu.dma_semaphore, #tpu.memory_space<semaphore_mem>>)
      %dma_wait3A = arith.constant 0 : i32
      %dma_wait3A_50 = tpu.memref_slice %arg7[%scan3A_44, %dma_wait3A] : memref<40x500xi32, #tpu.memory_space<vmem>> -> memref<1x500xi32, #tpu.memory_space<vmem>>
      %dma_wait3A_51 = tpu.memref_squeeze %dma_wait3A_50 : memref<1x500xi32, #tpu.memory_space<vmem>> -> memref<500xi32, #tpu.memory_space<vmem>>
      %dma_wait3A_52 = arith.constant 0 : i32
      %dma_wait3A_53 = arith.constant 0 : i32
      %dma_wait3A_54 = tpu.memref_slice %arg2[%dma_wait3A_52, %dma_wait3A_53] : memref<20000x64xf32, #tpu.memory_space<hbm>> -> memref<20000x64xf32, #tpu.memory_space<hbm>>
      tpu.wait_indirect_dma semaphore(%arg11 : memref<!tpu.dma_semaphore, #tpu.memory_space<semaphore_mem>>) src(%dma_wait3A_54 : memref<20000x64xf32, #tpu.memory_space<hbm>>) dst(%arg9 : memref<500x64xf32, #tpu.memory_space<vmem>>)
      "tpu.region"() ({
        %run_scoped3A = tpu.sem_alloc : memref<!tpu.dma_semaphore, #tpu.memory_space<semaphore_mem>>
        %dma_start3A_55 = arith.constant 0 : i32
        %dma_start3A_56 = tpu.memref_slice %arg8[%scan3A_44, %dma_start3A_55] : memref<40x500xi32, #tpu.memory_space<vmem>> -> memref<1x500xi32, #tpu.memory_space<vmem>>
        %dma_start3A_57 = tpu.memref_squeeze %dma_start3A_56 : memref<1x500xi32, #tpu.memory_space<vmem>> -> memref<500xi32, #tpu.memory_space<vmem>>
        %dma_start3A_58 = arith.constant 0 : i32
        %dma_start3A_59 = arith.constant 0 : i32
        %dma_start3A_60 = tpu.memref_slice %arg10[%dma_start3A_58, %dma_start3A_59] : memref<10112x64xf32, #tpu.memory_space<vmem_shared>> -> memref<10112x64xf32, #tpu.memory_space<vmem_shared>>
        tpu.enqueue_indirect_dma source(%arg9 : memref<500x64xf32, #tpu.memory_space<vmem>>) target(%dma_start3A_60 : memref<10112x64xf32, #tpu.memory_space<vmem_shared>>) offsets(%dma_start3A_57 : memref<500xi32, #tpu.memory_space<vmem>>) semaphore(%run_scoped3A : memref<!tpu.dma_semaphore, #tpu.memory_space<semaphore_mem>>) {add = true}
        %dma_wait3A_61 = arith.constant 0 : i32
        %dma_wait3A_62 = tpu.memref_slice %arg8[%scan3A_44, %dma_wait3A_61] : memref<40x500xi32, #tpu.memory_space<vmem>> -> memref<1x500xi32, #tpu.memory_space<vmem>>
        %dma_wait3A_63 = tpu.memref_squeeze %dma_wait3A_62 : memref<1x500xi32, #tpu.memory_space<vmem>> -> memref<500xi32, #tpu.memory_space<vmem>>
        %dma_wait3A_64 = arith.constant 0 : i32
        %dma_wait3A_65 = arith.constant 0 : i32
        %dma_wait3A_66 = tpu.memref_slice %arg10[%dma_wait3A_64, %dma_wait3A_65] : memref<10112x64xf32, #tpu.memory_space<vmem_shared>> -> memref<10112x64xf32, #tpu.memory_space<vmem_shared>>
        tpu.wait_indirect_dma semaphore(%run_scoped3A : memref<!tpu.dma_semaphore, #tpu.memory_space<semaphore_mem>>) src(%arg9 : memref<500x64xf32, #tpu.memory_space<vmem>>) dst(%dma_wait3A_66 : memref<10112x64xf32, #tpu.memory_space<vmem_shared>>)
        tpu.yield
      }) : () -> ()
    }
    %scan3A_17 = arith.constant 40 : i32
    %mul3A_18 = arith.constant 16 : i32
    %mul3A_19 = arith.muli %arg0, %mul3A_18 : i32
    %mul3A_20 = arith.constant 80 : i32
    %mul3A_21 = arith.muli %mul3A_19, %mul3A_20 : i32
    %mul3A_22 = arith.constant 80 : i32
    %mul3A_23 = arith.muli %arg1, %mul3A_22 : i32
    %add3A_24 = arith.addi %mul3A_21, %mul3A_23 : i32
    %add3A_25 = arith.constant 40 : i32
    %add3A_26 = arith.addi %add3A_24, %add3A_25 : i32
    %mul3A_27 = arith.constant 80 : i32
    %mul3A_28 = arith.muli %arg1, %mul3A_27 : i32
    %add3A_29 = arith.constant 40 : i32
    %add3A_30 = arith.addi %mul3A_28, %add3A_29 : i32
    "tpu.region"() ({
      %run_scoped3A = tpu.sem_alloc : memref<!tpu.dma_semaphore, #tpu.memory_space<semaphore_mem>>
      %dma_start3A = arith.constant 0 : i32
      %dma_start3A_44 = tpu.memref_slice %arg3[%add3A_26, %dma_start3A] : memref<2560x500xi32, #tpu.memory_space<hbm>> -> memref<40x500xi32, #tpu.memory_space<hbm>>
      %dma_start3A_45 = arith.constant 0 : i32
      %dma_start3A_46 = tpu.memref_slice %arg3[%add3A_26, %dma_start3A_45] : memref<2560x500xi32, #tpu.memory_space<hbm>> -> memref<40x500xi32, #tpu.memory_space<hbm>>
      tpu.enqueue_dma source(%dma_start3A_46 : memref<40x500xi32, #tpu.memory_space<hbm>>) target(%arg7 : memref<40x500xi32, #tpu.memory_space<vmem>>) target_semaphore(%run_scoped3A : memref<!tpu.dma_semaphore, #tpu.memory_space<semaphore_mem>>)
      %dma_wait3A = arith.constant 0 : i32
      %dma_wait3A_47 = tpu.memref_slice %arg3[%add3A_26, %dma_wait3A] : memref<2560x500xi32, #tpu.memory_space<hbm>> -> memref<40x500xi32, #tpu.memory_space<hbm>>
      %dma_wait3A_48 = arith.constant 0 : i32
      %dma_wait3A_49 = tpu.memref_slice %arg3[%add3A_26, %dma_wait3A_48] : memref<2560x500xi32, #tpu.memory_space<hbm>> -> memref<40x500xi32, #tpu.memory_space<hbm>>
      tpu.wait_dma2 semaphore(%run_scoped3A : memref<!tpu.dma_semaphore, #tpu.memory_space<semaphore_mem>>) src(%dma_wait3A_49 : memref<40x500xi32, #tpu.memory_space<hbm>>) dst(%arg7 : memref<40x500xi32, #tpu.memory_space<vmem>>)
      tpu.yield
    }) : () -> ()
    "tpu.region"() ({
      %run_scoped3A = tpu.sem_alloc : memref<!tpu.dma_semaphore, #tpu.memory_space<semaphore_mem>>
      %dma_start3A = arith.constant 0 : i32
      %dma_start3A_44 = tpu.memref_slice %arg4[%add3A_30, %dma_start3A] : memref<1280x500xi32, #tpu.memory_space<hbm>> -> memref<40x500xi32, #tpu.memory_space<hbm>>
      %dma_start3A_45 = arith.constant 0 : i32
      %dma_start3A_46 = tpu.memref_slice %arg4[%add3A_30, %dma_start3A_45] : memref<1280x500xi32, #tpu.memory_space<hbm>> -> memref<40x500xi32, #tpu.memory_space<hbm>>
      tpu.enqueue_dma source(%dma_start3A_46 : memref<40x500xi32, #tpu.memory_space<hbm>>) target(%arg8 : memref<40x500xi32, #tpu.memory_space<vmem>>) target_semaphore(%run_scoped3A : memref<!tpu.dma_semaphore, #tpu.memory_space<semaphore_mem>>)
      %dma_wait3A = arith.constant 0 : i32
      %dma_wait3A_47 = tpu.memref_slice %arg4[%add3A_30, %dma_wait3A] : memref<1280x500xi32, #tpu.memory_space<hbm>> -> memref<40x500xi32, #tpu.memory_space<hbm>>
      %dma_wait3A_48 = arith.constant 0 : i32
      %dma_wait3A_49 = tpu.memref_slice %arg4[%add3A_30, %dma_wait3A_48] : memref<1280x500xi32, #tpu.memory_space<hbm>> -> memref<40x500xi32, #tpu.memory_space<hbm>>
      tpu.wait_dma2 semaphore(%run_scoped3A : memref<!tpu.dma_semaphore, #tpu.memory_space<semaphore_mem>>) src(%dma_wait3A_49 : memref<40x500xi32, #tpu.memory_space<hbm>>) dst(%arg8 : memref<40x500xi32, #tpu.memory_space<vmem>>)
      tpu.yield
    }) : () -> ()
    %scan3A_31 = arith.constant 0 : i32
    %scan3A_32 = arith.constant 0 : i32
    %scan3A_33 = arith.constant 40 : i32
    %scan3A_34 = arith.addi %scan3A_32, %scan3A_33 : i32
    %scan3A_35 = arith.constant 1 : i32
    scf.for %scan3A_44 = %scan3A_32 to %scan3A_34 step %scan3A_35  : i32 {
      %dma_start3A = arith.constant 0 : i32
      %dma_start3A_45 = tpu.memref_slice %arg7[%scan3A_44, %dma_start3A] : memref<40x500xi32, #tpu.memory_space<vmem>> -> memref<1x500xi32, #tpu.memory_space<vmem>>
      %dma_start3A_46 = tpu.memref_squeeze %dma_start3A_45 : memref<1x500xi32, #tpu.memory_space<vmem>> -> memref<500xi32, #tpu.memory_space<vmem>>
      %dma_start3A_47 = arith.constant 0 : i32
      %dma_start3A_48 = arith.constant 0 : i32
      %dma_start3A_49 = tpu.memref_slice %arg2[%dma_start3A_47, %dma_start3A_48] : memref<20000x64xf32, #tpu.memory_space<hbm>> -> memref<20000x64xf32, #tpu.memory_space<hbm>>
      tpu.enqueue_indirect_dma source(%dma_start3A_49 : memref<20000x64xf32, #tpu.memory_space<hbm>>) target(%arg9 : memref<500x64xf32, #tpu.memory_space<vmem>>) offsets(%dma_start3A_46 : memref<500xi32, #tpu.memory_space<vmem>>) semaphore(%arg11 : memref<!tpu.dma_semaphore, #tpu.memory_space<semaphore_mem>>)
      %dma_wait3A = arith.constant 0 : i32
      %dma_wait3A_50 = tpu.memref_slice %arg7[%scan3A_44, %dma_wait3A] : memref<40x500xi32, #tpu.memory_space<vmem>> -> memref<1x500xi32, #tpu.memory_space<vmem>>
      %dma_wait3A_51 = tpu.memref_squeeze %dma_wait3A_50 : memref<1x500xi32, #tpu.memory_space<vmem>> -> memref<500xi32, #tpu.memory_space<vmem>>
      %dma_wait3A_52 = arith.constant 0 : i32
      %dma_wait3A_53 = arith.constant 0 : i32
      %dma_wait3A_54 = tpu.memref_slice %arg2[%dma_wait3A_52, %dma_wait3A_53] : memref<20000x64xf32, #tpu.memory_space<hbm>> -> memref<20000x64xf32, #tpu.memory_space<hbm>>
      tpu.wait_indirect_dma semaphore(%arg11 : memref<!tpu.dma_semaphore, #tpu.memory_space<semaphore_mem>>) src(%dma_wait3A_54 : memref<20000x64xf32, #tpu.memory_space<hbm>>) dst(%arg9 : memref<500x64xf32, #tpu.memory_space<vmem>>)
      "tpu.region"() ({
        %run_scoped3A = tpu.sem_alloc : memref<!tpu.dma_semaphore, #tpu.memory_space<semaphore_mem>>
        %dma_start3A_55 = arith.constant 0 : i32
        %dma_start3A_56 = tpu.memref_slice %arg8[%scan3A_44, %dma_start3A_55] : memref<40x500xi32, #tpu.memory_space<vmem>> -> memref<1x500xi32, #tpu.memory_space<vmem>>
        %dma_start3A_57 = tpu.memref_squeeze %dma_start3A_56 : memref<1x500xi32, #tpu.memory_space<vmem>> -> memref<500xi32, #tpu.memory_space<vmem>>
        %dma_start3A_58 = arith.constant 0 : i32
        %dma_start3A_59 = arith.constant 0 : i32
        %dma_start3A_60 = tpu.memref_slice %arg10[%dma_start3A_58, %dma_start3A_59] : memref<10112x64xf32, #tpu.memory_space<vmem_shared>> -> memref<10112x64xf32, #tpu.memory_space<vmem_shared>>
        tpu.enqueue_indirect_dma source(%arg9 : memref<500x64xf32, #tpu.memory_space<vmem>>) target(%dma_start3A_60 : memref<10112x64xf32, #tpu.memory_space<vmem_shared>>) offsets(%dma_start3A_57 : memref<500xi32, #tpu.memory_space<vmem>>) semaphore(%run_scoped3A : memref<!tpu.dma_semaphore, #tpu.memory_space<semaphore_mem>>) {add = true}
        %dma_wait3A_61 = arith.constant 0 : i32
        %dma_wait3A_62 = tpu.memref_slice %arg8[%scan3A_44, %dma_wait3A_61] : memref<40x500xi32, #tpu.memory_space<vmem>> -> memref<1x500xi32, #tpu.memory_space<vmem>>
        %dma_wait3A_63 = tpu.memref_squeeze %dma_wait3A_62 : memref<1x500xi32, #tpu.memory_space<vmem>> -> memref<500xi32, #tpu.memory_space<vmem>>
        %dma_wait3A_64 = arith.constant 0 : i32
        %dma_wait3A_65 = arith.constant 0 : i32
        %dma_wait3A_66 = tpu.memref_slice %arg10[%dma_wait3A_64, %dma_wait3A_65] : memref<10112x64xf32, #tpu.memory_space<vmem_shared>> -> memref<10112x64xf32, #tpu.memory_space<vmem_shared>>
        tpu.wait_indirect_dma semaphore(%run_scoped3A : memref<!tpu.dma_semaphore, #tpu.memory_space<semaphore_mem>>) src(%arg9 : memref<500x64xf32, #tpu.memory_space<vmem>>) dst(%dma_wait3A_66 : memref<10112x64xf32, #tpu.memory_space<vmem_shared>>)
        tpu.yield
      }) : () -> ()
    }
    %scan3A_36 = arith.constant 40 : i32
    %barrier3A_37 = arith.constant 0 : index
    tpu.barrier barrier_id(%barrier3A_37)
    %mul3A_38 = arith.constant 10112 : i32
    %mul3A_39 = arith.muli %arg0, %mul3A_38 : i32
    %mul3A_40 = arith.constant 632 : i32
    %mul3A_41 = arith.muli %arg1, %mul3A_40 : i32
    %add3A_42 = arith.addi %mul3A_39, %mul3A_41 : i32
    %multiple_of3A_43 = tpu.assume_multiple %add3A_42, 8 : i32
    "tpu.region"() ({
      %run_scoped3A = tpu.sem_alloc : memref<!tpu.dma_semaphore, #tpu.memory_space<semaphore_mem>>
      %dma_start3A = arith.constant 0 : i32
      %dma_start3A_44 = tpu.memref_slice %arg6[%multiple_of3A_43, %dma_start3A] : memref<20224x64xf32, #tpu.memory_space<hbm>> -> memref<632x64xf32, #tpu.memory_space<hbm>>
      %dma_start3A_45 = arith.constant 0 : i32
      %dma_start3A_46 = tpu.memref_slice %arg10[%multiple_of3A, %dma_start3A_45] : memref<10112x64xf32, #tpu.memory_space<vmem_shared>> -> memref<632x64xf32, #tpu.memory_space<vmem_shared>>
      tpu.enqueue_dma source(%dma_start3A_46 : memref<632x64xf32, #tpu.memory_space<vmem_shared>>) target(%dma_start3A_44 : memref<632x64xf32, #tpu.memory_space<hbm>>) target_semaphore(%run_scoped3A : memref<!tpu.dma_semaphore, #tpu.memory_space<semaphore_mem>>)
      %dma_wait3A = arith.constant 0 : i32
      %dma_wait3A_47 = tpu.memref_slice %arg6[%multiple_of3A_43, %dma_wait3A] : memref<20224x64xf32, #tpu.memory_space<hbm>> -> memref<632x64xf32, #tpu.memory_space<hbm>>
      %dma_wait3A_48 = arith.constant 0 : i32
      %dma_wait3A_49 = tpu.memref_slice %arg10[%multiple_of3A, %dma_wait3A_48] : memref<10112x64xf32, #tpu.memory_space<vmem_shared>> -> memref<632x64xf32, #tpu.memory_space<vmem_shared>>
      tpu.wait_dma2 semaphore(%run_scoped3A : memref<!tpu.dma_semaphore, #tpu.memory_space<semaphore_mem>>) src(%dma_wait3A_49 : memref<632x64xf32, #tpu.memory_space<vmem_shared>>) dst(%dma_wait3A_47 : memref<632x64xf32, #tpu.memory_space<hbm>>)
      tpu.yield
    }) : () -> ()
    return
  }
}

#map = affine_map<(d0, d1) -> (0, 0)>
#map1 = affine_map<(d0, d1) -> (0, 0, 0)>
module attributes {stable_mosaic.version = 14 : i64} {
  func.func @gather_k(%arg0: i32, %arg1: i32, %arg2: memref<10112x128xf32, #tpu.memory_space<hbm>>, %arg3: memref<10112x128xf32, #tpu.memory_space<hbm>>, %arg4: memref<320000x128xf32, #tpu.memory_space<hbm>>, %arg5: memref<32x25x400xi32, #tpu.memory_space<hbm>>, %arg6: memref<32x25x400xi32, #tpu.memory_space<hbm>>, %arg7: memref<320000x128xf32, #tpu.memory_space<hbm>>, %arg8: memref<25x400xi32, #tpu.memory_space<vmem>>, %arg9: memref<25x400xi32, #tpu.memory_space<vmem>>, %arg10: memref<400x128xf32, #tpu.memory_space<vmem>>, %arg11: memref<400x128xf32, #tpu.memory_space<vmem>>, %arg12: memref<!tpu.dma_semaphore, #tpu.memory_space<semaphore_mem>>, %arg13: memref<!tpu.dma_semaphore, #tpu.memory_space<semaphore_mem>>, %arg14: memref<!tpu.dma_semaphore, #tpu.memory_space<semaphore_mem>>, %arg15: memref<!tpu.dma_semaphore, #tpu.memory_space<semaphore_mem>>, %arg16: memref<!tpu.dma_semaphore, #tpu.memory_space<semaphore_mem>>, %arg17: memref<!tpu.dma_semaphore, #tpu.memory_space<semaphore_mem>>) attributes {dimension_semantics = [#tpu.dimension_semantics<core_parallel>, #tpu.dimension_semantics<subcore_parallel>], iteration_bounds = array<i64: 2, 16>, scalar_prefetch = 0 : i64, scratch_operands = 10 : i64, tpu.core_type = #tpu.core_type<sc_vector_subcore>, window_params = [{transform_indices = #map}, {transform_indices = #map}, {transform_indices = #map}, {transform_indices = #map1}, {transform_indices = #map1}, {transform_indices = #map}]} {
    %mul3A = arith.constant 16 : i32
    %mul3A_0 = arith.muli %arg0, %mul3A : i32
    %add3A = arith.addi %mul3A_0, %arg1 : i32
    "tpu.region"() ({
      %run_scoped3A = tpu.sem_alloc : memref<!tpu.dma_semaphore, #tpu.memory_space<semaphore_mem>>
      %dma_start3A_38 = arith.constant 0 : i32
      %dma_start3A_39 = arith.constant 0 : i32
      %dma_start3A_40 = tpu.memref_slice %arg5[%add3A, %dma_start3A_38, %dma_start3A_39] : memref<32x25x400xi32, #tpu.memory_space<hbm>> -> memref<1x25x400xi32, #tpu.memory_space<hbm>>
      %dma_start3A_41 = tpu.memref_squeeze %dma_start3A_40 : memref<1x25x400xi32, #tpu.memory_space<hbm>> -> memref<25x400xi32, #tpu.memory_space<hbm>>
      %dma_start3A_42 = arith.constant 0 : i32
      %dma_start3A_43 = arith.constant 0 : i32
      %dma_start3A_44 = tpu.memref_slice %arg5[%add3A, %dma_start3A_42, %dma_start3A_43] : memref<32x25x400xi32, #tpu.memory_space<hbm>> -> memref<1x25x400xi32, #tpu.memory_space<hbm>>
      %dma_start3A_45 = tpu.memref_squeeze %dma_start3A_44 : memref<1x25x400xi32, #tpu.memory_space<hbm>> -> memref<25x400xi32, #tpu.memory_space<hbm>>
      tpu.enqueue_dma source(%dma_start3A_45 : memref<25x400xi32, #tpu.memory_space<hbm>>) target(%arg8 : memref<25x400xi32, #tpu.memory_space<vmem>>) target_semaphore(%run_scoped3A : memref<!tpu.dma_semaphore, #tpu.memory_space<semaphore_mem>>)
      %dma_wait3A_46 = arith.constant 0 : i32
      %dma_wait3A_47 = arith.constant 0 : i32
      %dma_wait3A_48 = tpu.memref_slice %arg5[%add3A, %dma_wait3A_46, %dma_wait3A_47] : memref<32x25x400xi32, #tpu.memory_space<hbm>> -> memref<1x25x400xi32, #tpu.memory_space<hbm>>
      %dma_wait3A_49 = tpu.memref_squeeze %dma_wait3A_48 : memref<1x25x400xi32, #tpu.memory_space<hbm>> -> memref<25x400xi32, #tpu.memory_space<hbm>>
      %dma_wait3A_50 = arith.constant 0 : i32
      %dma_wait3A_51 = arith.constant 0 : i32
      %dma_wait3A_52 = tpu.memref_slice %arg5[%add3A, %dma_wait3A_50, %dma_wait3A_51] : memref<32x25x400xi32, #tpu.memory_space<hbm>> -> memref<1x25x400xi32, #tpu.memory_space<hbm>>
      %dma_wait3A_53 = tpu.memref_squeeze %dma_wait3A_52 : memref<1x25x400xi32, #tpu.memory_space<hbm>> -> memref<25x400xi32, #tpu.memory_space<hbm>>
      tpu.wait_dma2 semaphore(%run_scoped3A : memref<!tpu.dma_semaphore, #tpu.memory_space<semaphore_mem>>) src(%dma_wait3A_53 : memref<25x400xi32, #tpu.memory_space<hbm>>) dst(%arg8 : memref<25x400xi32, #tpu.memory_space<vmem>>)
      tpu.yield
    }) : () -> ()
    "tpu.region"() ({
      %run_scoped3A = tpu.sem_alloc : memref<!tpu.dma_semaphore, #tpu.memory_space<semaphore_mem>>
      %dma_start3A_38 = arith.constant 0 : i32
      %dma_start3A_39 = arith.constant 0 : i32
      %dma_start3A_40 = tpu.memref_slice %arg6[%add3A, %dma_start3A_38, %dma_start3A_39] : memref<32x25x400xi32, #tpu.memory_space<hbm>> -> memref<1x25x400xi32, #tpu.memory_space<hbm>>
      %dma_start3A_41 = tpu.memref_squeeze %dma_start3A_40 : memref<1x25x400xi32, #tpu.memory_space<hbm>> -> memref<25x400xi32, #tpu.memory_space<hbm>>
      %dma_start3A_42 = arith.constant 0 : i32
      %dma_start3A_43 = arith.constant 0 : i32
      %dma_start3A_44 = tpu.memref_slice %arg6[%add3A, %dma_start3A_42, %dma_start3A_43] : memref<32x25x400xi32, #tpu.memory_space<hbm>> -> memref<1x25x400xi32, #tpu.memory_space<hbm>>
      %dma_start3A_45 = tpu.memref_squeeze %dma_start3A_44 : memref<1x25x400xi32, #tpu.memory_space<hbm>> -> memref<25x400xi32, #tpu.memory_space<hbm>>
      tpu.enqueue_dma source(%dma_start3A_45 : memref<25x400xi32, #tpu.memory_space<hbm>>) target(%arg9 : memref<25x400xi32, #tpu.memory_space<vmem>>) target_semaphore(%run_scoped3A : memref<!tpu.dma_semaphore, #tpu.memory_space<semaphore_mem>>)
      %dma_wait3A_46 = arith.constant 0 : i32
      %dma_wait3A_47 = arith.constant 0 : i32
      %dma_wait3A_48 = tpu.memref_slice %arg6[%add3A, %dma_wait3A_46, %dma_wait3A_47] : memref<32x25x400xi32, #tpu.memory_space<hbm>> -> memref<1x25x400xi32, #tpu.memory_space<hbm>>
      %dma_wait3A_49 = tpu.memref_squeeze %dma_wait3A_48 : memref<1x25x400xi32, #tpu.memory_space<hbm>> -> memref<25x400xi32, #tpu.memory_space<hbm>>
      %dma_wait3A_50 = arith.constant 0 : i32
      %dma_wait3A_51 = arith.constant 0 : i32
      %dma_wait3A_52 = tpu.memref_slice %arg6[%add3A, %dma_wait3A_50, %dma_wait3A_51] : memref<32x25x400xi32, #tpu.memory_space<hbm>> -> memref<1x25x400xi32, #tpu.memory_space<hbm>>
      %dma_wait3A_53 = tpu.memref_squeeze %dma_wait3A_52 : memref<1x25x400xi32, #tpu.memory_space<hbm>> -> memref<25x400xi32, #tpu.memory_space<hbm>>
      tpu.wait_dma2 semaphore(%run_scoped3A : memref<!tpu.dma_semaphore, #tpu.memory_space<semaphore_mem>>) src(%dma_wait3A_53 : memref<25x400xi32, #tpu.memory_space<hbm>>) dst(%arg9 : memref<25x400xi32, #tpu.memory_space<vmem>>)
      tpu.yield
    }) : () -> ()
    %mul3A_1 = arith.constant 25 : i32
    %mul3A_2 = arith.muli %add3A, %mul3A_1 : i32
    %mul3A_3 = arith.constant 400 : i32
    %mul3A_4 = arith.muli %mul3A_2, %mul3A_3 : i32
    %scan3A = arith.constant 0 : i32
    %scan3A_5 = arith.constant 0 : i32
    %scan3A_6 = arith.constant 12 : i32
    %scan3A_7 = arith.addi %scan3A_5, %scan3A_6 : i32
    %scan3A_8 = arith.constant 1 : i32
    scf.for %scan3A_38 = %scan3A_5 to %scan3A_7 step %scan3A_8  : i32 {
      %mul3A_39 = arith.constant 2 : i32
      %mul3A_40 = arith.muli %scan3A_38, %mul3A_39 : i32
      %add3A_41 = arith.constant 0 : i32
      %add3A_42 = arith.addi %mul3A_40, %add3A_41 : i32
      %mul3A_43 = arith.constant 400 : i32
      %mul3A_44 = arith.muli %add3A_42, %mul3A_43 : i32
      %add3A_45 = arith.addi %mul3A_4, %mul3A_44 : i32
      "tpu.region"() ({
        %run_scoped3A = tpu.sem_alloc : memref<!tpu.dma_semaphore, #tpu.memory_space<semaphore_mem>>
        %dma_start3A_117 = arith.constant 0 : i32
        %dma_start3A_118 = tpu.memref_slice %arg4[%add3A_45, %dma_start3A_117] : memref<320000x128xf32, #tpu.memory_space<hbm>> -> memref<400x128xf32, #tpu.memory_space<hbm>>
        %dma_start3A_119 = arith.constant 0 : i32
        %dma_start3A_120 = tpu.memref_slice %arg4[%add3A_45, %dma_start3A_119] : memref<320000x128xf32, #tpu.memory_space<hbm>> -> memref<400x128xf32, #tpu.memory_space<hbm>>
        tpu.enqueue_dma source(%dma_start3A_120 : memref<400x128xf32, #tpu.memory_space<hbm>>) target(%arg10 : memref<400x128xf32, #tpu.memory_space<vmem>>) target_semaphore(%run_scoped3A : memref<!tpu.dma_semaphore, #tpu.memory_space<semaphore_mem>>)
        %dma_wait3A_121 = arith.constant 0 : i32
        %dma_wait3A_122 = tpu.memref_slice %arg4[%add3A_45, %dma_wait3A_121] : memref<320000x128xf32, #tpu.memory_space<hbm>> -> memref<400x128xf32, #tpu.memory_space<hbm>>
        %dma_wait3A_123 = arith.constant 0 : i32
        %dma_wait3A_124 = tpu.memref_slice %arg4[%add3A_45, %dma_wait3A_123] : memref<320000x128xf32, #tpu.memory_space<hbm>> -> memref<400x128xf32, #tpu.memory_space<hbm>>
        tpu.wait_dma2 semaphore(%run_scoped3A : memref<!tpu.dma_semaphore, #tpu.memory_space<semaphore_mem>>) src(%dma_wait3A_124 : memref<400x128xf32, #tpu.memory_space<hbm>>) dst(%arg10 : memref<400x128xf32, #tpu.memory_space<vmem>>)
        tpu.yield
      }) : () -> ()
      %dma_start3A_46 = arith.constant 0 : i32
      %dma_start3A_47 = tpu.memref_slice %arg8[%add3A_42, %dma_start3A_46] : memref<25x400xi32, #tpu.memory_space<vmem>> -> memref<1x400xi32, #tpu.memory_space<vmem>>
      %dma_start3A_48 = tpu.memref_squeeze %dma_start3A_47 : memref<1x400xi32, #tpu.memory_space<vmem>> -> memref<400xi32, #tpu.memory_space<vmem>>
      %dma_start3A_49 = arith.constant 0 : i32
      %dma_start3A_50 = arith.constant 0 : i32
      %dma_start3A_51 = tpu.memref_slice %arg2[%dma_start3A_49, %dma_start3A_50] : memref<10112x128xf32, #tpu.memory_space<hbm>> -> memref<10112x128xf32, #tpu.memory_space<hbm>>
      tpu.enqueue_indirect_dma source(%dma_start3A_51 : memref<10112x128xf32, #tpu.memory_space<hbm>>) target(%arg10 : memref<400x128xf32, #tpu.memory_space<vmem>>) offsets(%dma_start3A_48 : memref<400xi32, #tpu.memory_space<vmem>>) semaphore(%arg12 : memref<!tpu.dma_semaphore, #tpu.memory_space<semaphore_mem>>) {add = true}
      %dma_wait3A_52 = arith.constant 0 : i32
      %dma_wait3A_53 = tpu.memref_slice %arg8[%add3A_42, %dma_wait3A_52] : memref<25x400xi32, #tpu.memory_space<vmem>> -> memref<1x400xi32, #tpu.memory_space<vmem>>
      %dma_wait3A_54 = tpu.memref_squeeze %dma_wait3A_53 : memref<1x400xi32, #tpu.memory_space<vmem>> -> memref<400xi32, #tpu.memory_space<vmem>>
      %dma_wait3A_55 = arith.constant 0 : i32
      %dma_wait3A_56 = arith.constant 0 : i32
      %dma_wait3A_57 = tpu.memref_slice %arg2[%dma_wait3A_55, %dma_wait3A_56] : memref<10112x128xf32, #tpu.memory_space<hbm>> -> memref<10112x128xf32, #tpu.memory_space<hbm>>
      tpu.wait_indirect_dma semaphore(%arg12 : memref<!tpu.dma_semaphore, #tpu.memory_space<semaphore_mem>>) src(%dma_wait3A_57 : memref<10112x128xf32, #tpu.memory_space<hbm>>) dst(%arg10 : memref<400x128xf32, #tpu.memory_space<vmem>>)
      %dma_start3A_58 = arith.constant 0 : i32
      %dma_start3A_59 = tpu.memref_slice %arg9[%add3A_42, %dma_start3A_58] : memref<25x400xi32, #tpu.memory_space<vmem>> -> memref<1x400xi32, #tpu.memory_space<vmem>>
      %dma_start3A_60 = tpu.memref_squeeze %dma_start3A_59 : memref<1x400xi32, #tpu.memory_space<vmem>> -> memref<400xi32, #tpu.memory_space<vmem>>
      %dma_start3A_61 = arith.constant 0 : i32
      %dma_start3A_62 = arith.constant 0 : i32
      %dma_start3A_63 = tpu.memref_slice %arg3[%dma_start3A_61, %dma_start3A_62] : memref<10112x128xf32, #tpu.memory_space<hbm>> -> memref<10112x128xf32, #tpu.memory_space<hbm>>
      tpu.enqueue_indirect_dma source(%dma_start3A_63 : memref<10112x128xf32, #tpu.memory_space<hbm>>) target(%arg10 : memref<400x128xf32, #tpu.memory_space<vmem>>) offsets(%dma_start3A_60 : memref<400xi32, #tpu.memory_space<vmem>>) semaphore(%arg14 : memref<!tpu.dma_semaphore, #tpu.memory_space<semaphore_mem>>) {add = true}
      %dma_wait3A_64 = arith.constant 0 : i32
      %dma_wait3A_65 = tpu.memref_slice %arg9[%add3A_42, %dma_wait3A_64] : memref<25x400xi32, #tpu.memory_space<vmem>> -> memref<1x400xi32, #tpu.memory_space<vmem>>
      %dma_wait3A_66 = tpu.memref_squeeze %dma_wait3A_65 : memref<1x400xi32, #tpu.memory_space<vmem>> -> memref<400xi32, #tpu.memory_space<vmem>>
      %dma_wait3A_67 = arith.constant 0 : i32
      %dma_wait3A_68 = arith.constant 0 : i32
      %dma_wait3A_69 = tpu.memref_slice %arg3[%dma_wait3A_67, %dma_wait3A_68] : memref<10112x128xf32, #tpu.memory_space<hbm>> -> memref<10112x128xf32, #tpu.memory_space<hbm>>
      tpu.wait_indirect_dma semaphore(%arg14 : memref<!tpu.dma_semaphore, #tpu.memory_space<semaphore_mem>>) src(%dma_wait3A_69 : memref<10112x128xf32, #tpu.memory_space<hbm>>) dst(%arg10 : memref<400x128xf32, #tpu.memory_space<vmem>>)
      %dma_start3A_70 = arith.constant 0 : i32
      %dma_start3A_71 = tpu.memref_slice %arg7[%add3A_45, %dma_start3A_70] : memref<320000x128xf32, #tpu.memory_space<hbm>> -> memref<400x128xf32, #tpu.memory_space<hbm>>
      %dma_start3A_72 = arith.constant 0 : i32
      %dma_start3A_73 = tpu.memref_slice %arg7[%add3A_45, %dma_start3A_72] : memref<320000x128xf32, #tpu.memory_space<hbm>> -> memref<400x128xf32, #tpu.memory_space<hbm>>
      tpu.enqueue_dma source(%arg10 : memref<400x128xf32, #tpu.memory_space<vmem>>) target(%dma_start3A_73 : memref<400x128xf32, #tpu.memory_space<hbm>>) target_semaphore(%arg16 : memref<!tpu.dma_semaphore, #tpu.memory_space<semaphore_mem>>)
      %mul3A_74 = arith.constant 2 : i32
      %mul3A_75 = arith.muli %scan3A_38, %mul3A_74 : i32
      %add3A_76 = arith.constant 1 : i32
      %add3A_77 = arith.addi %mul3A_75, %add3A_76 : i32
      %mul3A_78 = arith.constant 400 : i32
      %mul3A_79 = arith.muli %add3A_77, %mul3A_78 : i32
      %add3A_80 = arith.addi %mul3A_4, %mul3A_79 : i32
      "tpu.region"() ({
        %run_scoped3A = tpu.sem_alloc : memref<!tpu.dma_semaphore, #tpu.memory_space<semaphore_mem>>
        %dma_start3A_117 = arith.constant 0 : i32
        %dma_start3A_118 = tpu.memref_slice %arg4[%add3A_80, %dma_start3A_117] : memref<320000x128xf32, #tpu.memory_space<hbm>> -> memref<400x128xf32, #tpu.memory_space<hbm>>
        %dma_start3A_119 = arith.constant 0 : i32
        %dma_start3A_120 = tpu.memref_slice %arg4[%add3A_80, %dma_start3A_119] : memref<320000x128xf32, #tpu.memory_space<hbm>> -> memref<400x128xf32, #tpu.memory_space<hbm>>
        tpu.enqueue_dma source(%dma_start3A_120 : memref<400x128xf32, #tpu.memory_space<hbm>>) target(%arg11 : memref<400x128xf32, #tpu.memory_space<vmem>>) target_semaphore(%run_scoped3A : memref<!tpu.dma_semaphore, #tpu.memory_space<semaphore_mem>>)
        %dma_wait3A_121 = arith.constant 0 : i32
        %dma_wait3A_122 = tpu.memref_slice %arg4[%add3A_80, %dma_wait3A_121] : memref<320000x128xf32, #tpu.memory_space<hbm>> -> memref<400x128xf32, #tpu.memory_space<hbm>>
        %dma_wait3A_123 = arith.constant 0 : i32
        %dma_wait3A_124 = tpu.memref_slice %arg4[%add3A_80, %dma_wait3A_123] : memref<320000x128xf32, #tpu.memory_space<hbm>> -> memref<400x128xf32, #tpu.memory_space<hbm>>
        tpu.wait_dma2 semaphore(%run_scoped3A : memref<!tpu.dma_semaphore, #tpu.memory_space<semaphore_mem>>) src(%dma_wait3A_124 : memref<400x128xf32, #tpu.memory_space<hbm>>) dst(%arg11 : memref<400x128xf32, #tpu.memory_space<vmem>>)
        tpu.yield
      }) : () -> ()
      %dma_start3A_81 = arith.constant 0 : i32
      %dma_start3A_82 = tpu.memref_slice %arg8[%add3A_77, %dma_start3A_81] : memref<25x400xi32, #tpu.memory_space<vmem>> -> memref<1x400xi32, #tpu.memory_space<vmem>>
      %dma_start3A_83 = tpu.memref_squeeze %dma_start3A_82 : memref<1x400xi32, #tpu.memory_space<vmem>> -> memref<400xi32, #tpu.memory_space<vmem>>
      %dma_start3A_84 = arith.constant 0 : i32
      %dma_start3A_85 = arith.constant 0 : i32
      %dma_start3A_86 = tpu.memref_slice %arg2[%dma_start3A_84, %dma_start3A_85] : memref<10112x128xf32, #tpu.memory_space<hbm>> -> memref<10112x128xf32, #tpu.memory_space<hbm>>
      tpu.enqueue_indirect_dma source(%dma_start3A_86 : memref<10112x128xf32, #tpu.memory_space<hbm>>) target(%arg11 : memref<400x128xf32, #tpu.memory_space<vmem>>) offsets(%dma_start3A_83 : memref<400xi32, #tpu.memory_space<vmem>>) semaphore(%arg13 : memref<!tpu.dma_semaphore, #tpu.memory_space<semaphore_mem>>) {add = true}
      %dma_wait3A_87 = arith.constant 0 : i32
      %dma_wait3A_88 = tpu.memref_slice %arg8[%add3A_77, %dma_wait3A_87] : memref<25x400xi32, #tpu.memory_space<vmem>> -> memref<1x400xi32, #tpu.memory_space<vmem>>
      %dma_wait3A_89 = tpu.memref_squeeze %dma_wait3A_88 : memref<1x400xi32, #tpu.memory_space<vmem>> -> memref<400xi32, #tpu.memory_space<vmem>>
      %dma_wait3A_90 = arith.constant 0 : i32
      %dma_wait3A_91 = arith.constant 0 : i32
      %dma_wait3A_92 = tpu.memref_slice %arg2[%dma_wait3A_90, %dma_wait3A_91] : memref<10112x128xf32, #tpu.memory_space<hbm>> -> memref<10112x128xf32, #tpu.memory_space<hbm>>
      tpu.wait_indirect_dma semaphore(%arg13 : memref<!tpu.dma_semaphore, #tpu.memory_space<semaphore_mem>>) src(%dma_wait3A_92 : memref<10112x128xf32, #tpu.memory_space<hbm>>) dst(%arg11 : memref<400x128xf32, #tpu.memory_space<vmem>>)
      %dma_start3A_93 = arith.constant 0 : i32
      %dma_start3A_94 = tpu.memref_slice %arg9[%add3A_77, %dma_start3A_93] : memref<25x400xi32, #tpu.memory_space<vmem>> -> memref<1x400xi32, #tpu.memory_space<vmem>>
      %dma_start3A_95 = tpu.memref_squeeze %dma_start3A_94 : memref<1x400xi32, #tpu.memory_space<vmem>> -> memref<400xi32, #tpu.memory_space<vmem>>
      %dma_start3A_96 = arith.constant 0 : i32
      %dma_start3A_97 = arith.constant 0 : i32
      %dma_start3A_98 = tpu.memref_slice %arg3[%dma_start3A_96, %dma_start3A_97] : memref<10112x128xf32, #tpu.memory_space<hbm>> -> memref<10112x128xf32, #tpu.memory_space<hbm>>
      tpu.enqueue_indirect_dma source(%dma_start3A_98 : memref<10112x128xf32, #tpu.memory_space<hbm>>) target(%arg11 : memref<400x128xf32, #tpu.memory_space<vmem>>) offsets(%dma_start3A_95 : memref<400xi32, #tpu.memory_space<vmem>>) semaphore(%arg15 : memref<!tpu.dma_semaphore, #tpu.memory_space<semaphore_mem>>) {add = true}
      %dma_wait3A_99 = arith.constant 0 : i32
      %dma_wait3A_100 = tpu.memref_slice %arg9[%add3A_77, %dma_wait3A_99] : memref<25x400xi32, #tpu.memory_space<vmem>> -> memref<1x400xi32, #tpu.memory_space<vmem>>
      %dma_wait3A_101 = tpu.memref_squeeze %dma_wait3A_100 : memref<1x400xi32, #tpu.memory_space<vmem>> -> memref<400xi32, #tpu.memory_space<vmem>>
      %dma_wait3A_102 = arith.constant 0 : i32
      %dma_wait3A_103 = arith.constant 0 : i32
      %dma_wait3A_104 = tpu.memref_slice %arg3[%dma_wait3A_102, %dma_wait3A_103] : memref<10112x128xf32, #tpu.memory_space<hbm>> -> memref<10112x128xf32, #tpu.memory_space<hbm>>
      tpu.wait_indirect_dma semaphore(%arg15 : memref<!tpu.dma_semaphore, #tpu.memory_space<semaphore_mem>>) src(%dma_wait3A_104 : memref<10112x128xf32, #tpu.memory_space<hbm>>) dst(%arg11 : memref<400x128xf32, #tpu.memory_space<vmem>>)
      %dma_start3A_105 = arith.constant 0 : i32
      %dma_start3A_106 = tpu.memref_slice %arg7[%add3A_80, %dma_start3A_105] : memref<320000x128xf32, #tpu.memory_space<hbm>> -> memref<400x128xf32, #tpu.memory_space<hbm>>
      %dma_start3A_107 = arith.constant 0 : i32
      %dma_start3A_108 = tpu.memref_slice %arg7[%add3A_80, %dma_start3A_107] : memref<320000x128xf32, #tpu.memory_space<hbm>> -> memref<400x128xf32, #tpu.memory_space<hbm>>
      tpu.enqueue_dma source(%arg11 : memref<400x128xf32, #tpu.memory_space<vmem>>) target(%dma_start3A_108 : memref<400x128xf32, #tpu.memory_space<hbm>>) target_semaphore(%arg17 : memref<!tpu.dma_semaphore, #tpu.memory_space<semaphore_mem>>)
      %dma_wait3A_109 = arith.constant 0 : i32
      %dma_wait3A_110 = tpu.memref_slice %arg7[%add3A_45, %dma_wait3A_109] : memref<320000x128xf32, #tpu.memory_space<hbm>> -> memref<400x128xf32, #tpu.memory_space<hbm>>
      %dma_wait3A_111 = arith.constant 0 : i32
      %dma_wait3A_112 = tpu.memref_slice %arg7[%add3A_45, %dma_wait3A_111] : memref<320000x128xf32, #tpu.memory_space<hbm>> -> memref<400x128xf32, #tpu.memory_space<hbm>>
      tpu.wait_dma2 semaphore(%arg16 : memref<!tpu.dma_semaphore, #tpu.memory_space<semaphore_mem>>) src(%arg10 : memref<400x128xf32, #tpu.memory_space<vmem>>) dst(%dma_wait3A_112 : memref<400x128xf32, #tpu.memory_space<hbm>>)
      %dma_wait3A_113 = arith.constant 0 : i32
      %dma_wait3A_114 = tpu.memref_slice %arg7[%add3A_80, %dma_wait3A_113] : memref<320000x128xf32, #tpu.memory_space<hbm>> -> memref<400x128xf32, #tpu.memory_space<hbm>>
      %dma_wait3A_115 = arith.constant 0 : i32
      %dma_wait3A_116 = tpu.memref_slice %arg7[%add3A_80, %dma_wait3A_115] : memref<320000x128xf32, #tpu.memory_space<hbm>> -> memref<400x128xf32, #tpu.memory_space<hbm>>
      tpu.wait_dma2 semaphore(%arg17 : memref<!tpu.dma_semaphore, #tpu.memory_space<semaphore_mem>>) src(%arg11 : memref<400x128xf32, #tpu.memory_space<vmem>>) dst(%dma_wait3A_116 : memref<400x128xf32, #tpu.memory_space<hbm>>)
    }
    %scan3A_9 = arith.constant 12 : i32
    %add3A_10 = arith.constant 9600 : i32
    %add3A_11 = arith.addi %mul3A_4, %add3A_10 : i32
    "tpu.region"() ({
      %run_scoped3A = tpu.sem_alloc : memref<!tpu.dma_semaphore, #tpu.memory_space<semaphore_mem>>
      %dma_start3A_38 = arith.constant 0 : i32
      %dma_start3A_39 = tpu.memref_slice %arg4[%add3A_11, %dma_start3A_38] : memref<320000x128xf32, #tpu.memory_space<hbm>> -> memref<400x128xf32, #tpu.memory_space<hbm>>
      %dma_start3A_40 = arith.constant 0 : i32
      %dma_start3A_41 = tpu.memref_slice %arg4[%add3A_11, %dma_start3A_40] : memref<320000x128xf32, #tpu.memory_space<hbm>> -> memref<400x128xf32, #tpu.memory_space<hbm>>
      tpu.enqueue_dma source(%dma_start3A_41 : memref<400x128xf32, #tpu.memory_space<hbm>>) target(%arg10 : memref<400x128xf32, #tpu.memory_space<vmem>>) target_semaphore(%run_scoped3A : memref<!tpu.dma_semaphore, #tpu.memory_space<semaphore_mem>>)
      %dma_wait3A_42 = arith.constant 0 : i32
      %dma_wait3A_43 = tpu.memref_slice %arg4[%add3A_11, %dma_wait3A_42] : memref<320000x128xf32, #tpu.memory_space<hbm>> -> memref<400x128xf32, #tpu.memory_space<hbm>>
      %dma_wait3A_44 = arith.constant 0 : i32
      %dma_wait3A_45 = tpu.memref_slice %arg4[%add3A_11, %dma_wait3A_44] : memref<320000x128xf32, #tpu.memory_space<hbm>> -> memref<400x128xf32, #tpu.memory_space<hbm>>
      tpu.wait_dma2 semaphore(%run_scoped3A : memref<!tpu.dma_semaphore, #tpu.memory_space<semaphore_mem>>) src(%dma_wait3A_45 : memref<400x128xf32, #tpu.memory_space<hbm>>) dst(%arg10 : memref<400x128xf32, #tpu.memory_space<vmem>>)
      tpu.yield
    }) : () -> ()
    %dma_start3A = arith.constant 24 : i32
    %dma_start3A_12 = arith.constant 0 : i32
    %dma_start3A_13 = tpu.memref_slice %arg8[%dma_start3A, %dma_start3A_12] : memref<25x400xi32, #tpu.memory_space<vmem>> -> memref<1x400xi32, #tpu.memory_space<vmem>>
    %dma_start3A_14 = tpu.memref_squeeze %dma_start3A_13 : memref<1x400xi32, #tpu.memory_space<vmem>> -> memref<400xi32, #tpu.memory_space<vmem>>
    %dma_start3A_15 = arith.constant 0 : i32
    %dma_start3A_16 = arith.constant 0 : i32
    %dma_start3A_17 = tpu.memref_slice %arg2[%dma_start3A_15, %dma_start3A_16] : memref<10112x128xf32, #tpu.memory_space<hbm>> -> memref<10112x128xf32, #tpu.memory_space<hbm>>
    tpu.enqueue_indirect_dma source(%dma_start3A_17 : memref<10112x128xf32, #tpu.memory_space<hbm>>) target(%arg10 : memref<400x128xf32, #tpu.memory_space<vmem>>) offsets(%dma_start3A_14 : memref<400xi32, #tpu.memory_space<vmem>>) semaphore(%arg12 : memref<!tpu.dma_semaphore, #tpu.memory_space<semaphore_mem>>) {add = true}
    %dma_wait3A = arith.constant 24 : i32
    %dma_wait3A_18 = arith.constant 0 : i32
    %dma_wait3A_19 = tpu.memref_slice %arg8[%dma_wait3A, %dma_wait3A_18] : memref<25x400xi32, #tpu.memory_space<vmem>> -> memref<1x400xi32, #tpu.memory_space<vmem>>
    %dma_wait3A_20 = tpu.memref_squeeze %dma_wait3A_19 : memref<1x400xi32, #tpu.memory_space<vmem>> -> memref<400xi32, #tpu.memory_space<vmem>>
    %dma_wait3A_21 = arith.constant 0 : i32
    %dma_wait3A_22 = arith.constant 0 : i32
    %dma_wait3A_23 = tpu.memref_slice %arg2[%dma_wait3A_21, %dma_wait3A_22] : memref<10112x128xf32, #tpu.memory_space<hbm>> -> memref<10112x128xf32, #tpu.memory_space<hbm>>
    tpu.wait_indirect_dma semaphore(%arg12 : memref<!tpu.dma_semaphore, #tpu.memory_space<semaphore_mem>>) src(%dma_wait3A_23 : memref<10112x128xf32, #tpu.memory_space<hbm>>) dst(%arg10 : memref<400x128xf32, #tpu.memory_space<vmem>>)
    %dma_start3A_24 = arith.constant 24 : i32
    %dma_start3A_25 = arith.constant 0 : i32
    %dma_start3A_26 = tpu.memref_slice %arg9[%dma_start3A_24, %dma_start3A_25] : memref<25x400xi32, #tpu.memory_space<vmem>> -> memref<1x400xi32, #tpu.memory_space<vmem>>
    %dma_start3A_27 = tpu.memref_squeeze %dma_start3A_26 : memref<1x400xi32, #tpu.memory_space<vmem>> -> memref<400xi32, #tpu.memory_space<vmem>>
    %dma_start3A_28 = arith.constant 0 : i32
    %dma_start3A_29 = arith.constant 0 : i32
    %dma_start3A_30 = tpu.memref_slice %arg3[%dma_start3A_28, %dma_start3A_29] : memref<10112x128xf32, #tpu.memory_space<hbm>> -> memref<10112x128xf32, #tpu.memory_space<hbm>>
    tpu.enqueue_indirect_dma source(%dma_start3A_30 : memref<10112x128xf32, #tpu.memory_space<hbm>>) target(%arg10 : memref<400x128xf32, #tpu.memory_space<vmem>>) offsets(%dma_start3A_27 : memref<400xi32, #tpu.memory_space<vmem>>) semaphore(%arg14 : memref<!tpu.dma_semaphore, #tpu.memory_space<semaphore_mem>>) {add = true}
    %dma_wait3A_31 = arith.constant 24 : i32
    %dma_wait3A_32 = arith.constant 0 : i32
    %dma_wait3A_33 = tpu.memref_slice %arg9[%dma_wait3A_31, %dma_wait3A_32] : memref<25x400xi32, #tpu.memory_space<vmem>> -> memref<1x400xi32, #tpu.memory_space<vmem>>
    %dma_wait3A_34 = tpu.memref_squeeze %dma_wait3A_33 : memref<1x400xi32, #tpu.memory_space<vmem>> -> memref<400xi32, #tpu.memory_space<vmem>>
    %dma_wait3A_35 = arith.constant 0 : i32
    %dma_wait3A_36 = arith.constant 0 : i32
    %dma_wait3A_37 = tpu.memref_slice %arg3[%dma_wait3A_35, %dma_wait3A_36] : memref<10112x128xf32, #tpu.memory_space<hbm>> -> memref<10112x128xf32, #tpu.memory_space<hbm>>
    tpu.wait_indirect_dma semaphore(%arg14 : memref<!tpu.dma_semaphore, #tpu.memory_space<semaphore_mem>>) src(%dma_wait3A_37 : memref<10112x128xf32, #tpu.memory_space<hbm>>) dst(%arg10 : memref<400x128xf32, #tpu.memory_space<vmem>>)
    "tpu.region"() ({
      %run_scoped3A = tpu.sem_alloc : memref<!tpu.dma_semaphore, #tpu.memory_space<semaphore_mem>>
      %dma_start3A_38 = arith.constant 0 : i32
      %dma_start3A_39 = tpu.memref_slice %arg7[%add3A_11, %dma_start3A_38] : memref<320000x128xf32, #tpu.memory_space<hbm>> -> memref<400x128xf32, #tpu.memory_space<hbm>>
      %dma_start3A_40 = arith.constant 0 : i32
      %dma_start3A_41 = tpu.memref_slice %arg7[%add3A_11, %dma_start3A_40] : memref<320000x128xf32, #tpu.memory_space<hbm>> -> memref<400x128xf32, #tpu.memory_space<hbm>>
      tpu.enqueue_dma source(%arg10 : memref<400x128xf32, #tpu.memory_space<vmem>>) target(%dma_start3A_41 : memref<400x128xf32, #tpu.memory_space<hbm>>) target_semaphore(%run_scoped3A : memref<!tpu.dma_semaphore, #tpu.memory_space<semaphore_mem>>)
      %dma_wait3A_42 = arith.constant 0 : i32
      %dma_wait3A_43 = tpu.memref_slice %arg7[%add3A_11, %dma_wait3A_42] : memref<320000x128xf32, #tpu.memory_space<hbm>> -> memref<400x128xf32, #tpu.memory_space<hbm>>
      %dma_wait3A_44 = arith.constant 0 : i32
      %dma_wait3A_45 = tpu.memref_slice %arg7[%add3A_11, %dma_wait3A_44] : memref<320000x128xf32, #tpu.memory_space<hbm>> -> memref<400x128xf32, #tpu.memory_space<hbm>>
      tpu.wait_dma2 semaphore(%run_scoped3A : memref<!tpu.dma_semaphore, #tpu.memory_space<semaphore_mem>>) src(%arg10 : memref<400x128xf32, #tpu.memory_space<vmem>>) dst(%dma_wait3A_45 : memref<400x128xf32, #tpu.memory_space<hbm>>)
      tpu.yield
    }) : () -> ()
    return
  }
}

module attributes {stable_mosaic.version = 14 : i64} {
  func.func @body(%arg0: i32, %arg1: memref<1280x16xf32, #tpu.memory_space<vmem>>, %arg2: memref<16x128xf32, #tpu.memory_space<vmem>>, %arg3: memref<1x128xf32, #tpu.memory_space<vmem>>, %arg4: memref<1280x128xf32, #tpu.memory_space<vmem>>) attributes {dimension_semantics = [#tpu.dimension_semantics<arbitrary>], iteration_bounds = array<i64: 250>, scalar_prefetch = 0 : i64, scratch_operands = 0 : i64, tpu.core_type = #tpu.core_type<tc>, window_params = [{transform_indices = @transform_0, window_bounds = array<i64: 1280, 16>}, {pipeline_mode = #tpu.pipeline_mode<synchronous>, transform_indices = @transform_1, window_bounds = array<i64: 16, 128>}, {pipeline_mode = #tpu.pipeline_mode<synchronous>, transform_indices = @transform_2, window_bounds = array<i64: 1, 128>}, {transform_indices = @transform_3, window_bounds = array<i64: 1280, 128>}]} {
    %get3A = arith.constant 0 : index
    %get3A_0 = arith.constant 0 : index
    %get3A_1 = vector.load %arg1[%get3A, %get3A_0] : memref<1280x16xf32, #tpu.memory_space<vmem>>, vector<1280x16xf32>
    %get3A_2 = arith.constant 0 : index
    %get3A_3 = arith.constant 0 : index
    %get3A_4 = vector.load %arg2[%get3A_2, %get3A_3] : memref<16x128xf32, #tpu.memory_space<vmem>>, vector<16x128xf32>
    %dot_general3A = arith.constant dense<0.000000e+00> : vector<1280x128xf32>
    %dot_general3A_5 = tpu.matmul %get3A_1, %get3A_4, %dot_general3A {dimension_numbers = #tpu.dot_dimension_numbers<[1], [0], [0], [1], [0, 0, 1, 1], [], []>, transpose_lhs_hint = false} : vector<1280x16xf32>, vector<16x128xf32>, vector<1280x128xf32> -> vector<1280x128xf32>
    %get3A_6 = arith.constant 0 : index
    %get3A_7 = arith.constant 0 : index
    %get3A_8 = vector.load %arg3[%get3A_6, %get3A_7] : memref<1x128xf32, #tpu.memory_space<vmem>>, vector<1x128xf32>
    %add3A = vector.broadcast %get3A_8 : vector<1x128xf32> to vector<1280x128xf32>
    %add3A_9 = arith.addf %dot_general3A_5, %add3A : vector<1280x128xf32>
    %swap3A = arith.constant 0 : index
    %swap3A_10 = arith.constant 0 : index
    %swap3A_11 = vector.load %arg4[%swap3A, %swap3A_10] : memref<1280x128xf32, #tpu.memory_space<vmem>>, vector<1280x128xf32>
    tpu.vector_store %arg4[%swap3A, %swap3A_10], %add3A_9 {strides = array<i32>} : memref<1280x128xf32, #tpu.memory_space<vmem>>, vector<1280x128xf32>,
    return
  }
  func.func @transform_0(%arg0: i32) -> (i32, i32) {
    %c0_i32 = arith.constant 0 : i32
    %c0_i32_0 = arith.constant 0 : i32
    return %arg0, %c0_i32 : i32, i32
  }
  func.func @transform_1(%arg0: i32) -> (i32, i32) {
    %c0_i32 = arith.constant 0 : i32
    %c0_i32_0 = arith.constant 0 : i32
    %c0_i32_1 = arith.constant 0 : i32
    return %c0_i32, %c0_i32_0 : i32, i32
  }
  func.func @transform_2(%arg0: i32) -> (i32, i32) {
    %c0_i32 = arith.constant 0 : i32
    %c0_i32_0 = arith.constant 0 : i32
    %c0_i32_1 = arith.constant 0 : i32
    return %c0_i32, %c0_i32_0 : i32, i32
  }
  func.func @transform_3(%arg0: i32) -> (i32, i32) {
    %c0_i32 = arith.constant 0 : i32
    %c0_i32_0 = arith.constant 0 : i32
    return %arg0, %c0_i32 : i32, i32
  }
}

module attributes {stable_mosaic.version = 14 : i64} {
  func.func @body(%arg0: i32, %arg1: memref<1264x64xf32, #tpu.memory_space<vmem>>, %arg2: memref<1264x64xf32, #tpu.memory_space<vmem>>, %arg3: memref<64x128xf32, #tpu.memory_space<vmem>>, %arg4: memref<64x128xf32, #tpu.memory_space<vmem>>, %arg5: memref<64x128xf32, #tpu.memory_space<vmem>>, %arg6: memref<64x128xf32, #tpu.memory_space<vmem>>, %arg7: memref<1264x128xf32, #tpu.memory_space<vmem>>, %arg8: memref<1264x128xf32, #tpu.memory_space<vmem>>) attributes {dimension_semantics = [#tpu.dimension_semantics<arbitrary>], iteration_bounds = array<i64: 8>, scalar_prefetch = 0 : i64, scratch_operands = 0 : i64, tpu.core_type = #tpu.core_type<tc>, window_params = [{transform_indices = @transform_0, window_bounds = array<i64: 1264, 64>}, {transform_indices = @transform_1, window_bounds = array<i64: 1264, 64>}, {pipeline_mode = #tpu.pipeline_mode<synchronous>, transform_indices = @transform_2, window_bounds = array<i64: 64, 128>}, {pipeline_mode = #tpu.pipeline_mode<synchronous>, transform_indices = @transform_3, window_bounds = array<i64: 64, 128>}, {pipeline_mode = #tpu.pipeline_mode<synchronous>, transform_indices = @transform_4, window_bounds = array<i64: 64, 128>}, {pipeline_mode = #tpu.pipeline_mode<synchronous>, transform_indices = @transform_5, window_bounds = array<i64: 64, 128>}, {transform_indices = @transform_6, window_bounds = array<i64: 1264, 128>}, {transform_indices = @transform_7, window_bounds = array<i64: 1264, 128>}]} {
    %get3A = arith.constant 0 : index
    %get3A_0 = arith.constant 0 : index
    %get3A_1 = vector.load %arg1[%get3A, %get3A_0] : memref<1264x64xf32, #tpu.memory_space<vmem>>, vector<1264x64xf32>
    %get3A_2 = arith.constant 0 : index
    %get3A_3 = arith.constant 0 : index
    %get3A_4 = vector.load %arg2[%get3A_2, %get3A_3] : memref<1264x64xf32, #tpu.memory_space<vmem>>, vector<1264x64xf32>
    %get3A_5 = arith.constant 0 : index
    %get3A_6 = arith.constant 0 : index
    %get3A_7 = vector.load %arg3[%get3A_5, %get3A_6] : memref<64x128xf32, #tpu.memory_space<vmem>>, vector<64x128xf32>
    %dot_general3A = arith.constant dense<0.000000e+00> : vector<1264x128xf32>
    %dot_general3A_8 = tpu.matmul %get3A_1, %get3A_7, %dot_general3A {dimension_numbers = #tpu.dot_dimension_numbers<[1], [0], [0], [1], [0, 0, 1, 1], [], []>, transpose_lhs_hint = false} : vector<1264x64xf32>, vector<64x128xf32>, vector<1264x128xf32> -> vector<1264x128xf32>
    %get3A_9 = arith.constant 0 : index
    %get3A_10 = arith.constant 0 : index
    %get3A_11 = vector.load %arg4[%get3A_9, %get3A_10] : memref<64x128xf32, #tpu.memory_space<vmem>>, vector<64x128xf32>
    %dot_general3A_12 = arith.constant dense<0.000000e+00> : vector<1264x128xf32>
    %dot_general3A_13 = tpu.matmul %get3A_4, %get3A_11, %dot_general3A_12 {dimension_numbers = #tpu.dot_dimension_numbers<[1], [0], [0], [1], [0, 0, 1, 1], [], []>, transpose_lhs_hint = false} : vector<1264x64xf32>, vector<64x128xf32>, vector<1264x128xf32> -> vector<1264x128xf32>
    %add3A = arith.addf %dot_general3A_8, %dot_general3A_13 : vector<1264x128xf32>
    %swap3A = arith.constant 0 : index
    %swap3A_14 = arith.constant 0 : index
    %swap3A_15 = vector.load %arg7[%swap3A, %swap3A_14] : memref<1264x128xf32, #tpu.memory_space<vmem>>, vector<1264x128xf32>
    tpu.vector_store %arg7[%swap3A, %swap3A_14], %add3A {strides = array<i32>} : memref<1264x128xf32, #tpu.memory_space<vmem>>, vector<1264x128xf32>,
    %get3A_16 = arith.constant 0 : index
    %get3A_17 = arith.constant 0 : index
    %get3A_18 = vector.load %arg5[%get3A_16, %get3A_17] : memref<64x128xf32, #tpu.memory_space<vmem>>, vector<64x128xf32>
    %dot_general3A_19 = arith.constant dense<0.000000e+00> : vector<1264x128xf32>
    %dot_general3A_20 = tpu.matmul %get3A_1, %get3A_18, %dot_general3A_19 {dimension_numbers = #tpu.dot_dimension_numbers<[1], [0], [0], [1], [0, 0, 1, 1], [], []>, transpose_lhs_hint = false} : vector<1264x64xf32>, vector<64x128xf32>, vector<1264x128xf32> -> vector<1264x128xf32>
    %get3A_21 = arith.constant 0 : index
    %get3A_22 = arith.constant 0 : index
    %get3A_23 = vector.load %arg6[%get3A_21, %get3A_22] : memref<64x128xf32, #tpu.memory_space<vmem>>, vector<64x128xf32>
    %dot_general3A_24 = arith.constant dense<0.000000e+00> : vector<1264x128xf32>
    %dot_general3A_25 = tpu.matmul %get3A_4, %get3A_23, %dot_general3A_24 {dimension_numbers = #tpu.dot_dimension_numbers<[1], [0], [0], [1], [0, 0, 1, 1], [], []>, transpose_lhs_hint = false} : vector<1264x64xf32>, vector<64x128xf32>, vector<1264x128xf32> -> vector<1264x128xf32>
    %add3A_26 = arith.addf %dot_general3A_20, %dot_general3A_25 : vector<1264x128xf32>
    %swap3A_27 = arith.constant 0 : index
    %swap3A_28 = arith.constant 0 : index
    %swap3A_29 = vector.load %arg8[%swap3A_27, %swap3A_28] : memref<1264x128xf32, #tpu.memory_space<vmem>>, vector<1264x128xf32>
    tpu.vector_store %arg8[%swap3A_27, %swap3A_28], %add3A_26 {strides = array<i32>} : memref<1264x128xf32, #tpu.memory_space<vmem>>, vector<1264x128xf32>,
    return
  }
  func.func @transform_0(%arg0: i32) -> (i32, i32) {
    %c0_i32 = arith.constant 0 : i32
    %c0_i32_0 = arith.constant 0 : i32
    return %arg0, %c0_i32 : i32, i32
  }
  func.func @transform_1(%arg0: i32) -> (i32, i32) {
    %add3A = arith.constant 8 : i32
    %add3A_0 = arith.addi %arg0, %add3A : i32
    %c0_i32 = arith.constant 0 : i32
    %c0_i32_1 = arith.constant 0 : i32
    return %add3A_0, %c0_i32 : i32, i32
  }
  func.func @transform_2(%arg0: i32) -> (i32, i32) {
    %c0_i32 = arith.constant 0 : i32
    %c0_i32_0 = arith.constant 0 : i32
    %c0_i32_1 = arith.constant 0 : i32
    return %c0_i32, %c0_i32_0 : i32, i32
  }
  func.func @transform_3(%arg0: i32) -> (i32, i32) {
    %c0_i32 = arith.constant 0 : i32
    %c0_i32_0 = arith.constant 0 : i32
    %c0_i32_1 = arith.constant 0 : i32
    return %c0_i32, %c0_i32_0 : i32, i32
  }
  func.func @transform_4(%arg0: i32) -> (i32, i32) {
    %c0_i32 = arith.constant 0 : i32
    %c0_i32_0 = arith.constant 0 : i32
    %c0_i32_1 = arith.constant 0 : i32
    return %c0_i32, %c0_i32_0 : i32, i32
  }
  func.func @transform_5(%arg0: i32) -> (i32, i32) {
    %c0_i32 = arith.constant 0 : i32
    %c0_i32_0 = arith.constant 0 : i32
    %c0_i32_1 = arith.constant 0 : i32
    return %c0_i32, %c0_i32_0 : i32, i32
  }
  func.func @transform_6(%arg0: i32) -> (i32, i32) {
    %c0_i32 = arith.constant 0 : i32
    %c0_i32_0 = arith.constant 0 : i32
    return %arg0, %c0_i32 : i32, i32
  }
  func.func @transform_7(%arg0: i32) -> (i32, i32) {
    %c0_i32 = arith.constant 0 : i32
    %c0_i32_0 = arith.constant 0 : i32
    return %arg0, %c0_i32 : i32, i32
  }
}

</mosaic_0001>

<sc_bundles>
// kernel: kernel.6.cloned.1.call-start
scs
__scs_entry_jumppad:
0x0: {  	(pc) =	sbr.rel $0x88, $3  }
0x1: {  	(tag) =	ssettag $0x0;
	lr =	simm.s32 $0x1  }
0x2: {  	[smem:$0x3F9C] =	sst lr;
	_ =	strace $0xD0000000  }
0x3: {  	_ = 	snop  }
0x4: {  	_ = 	snop  }
0x5: {  	_ = 	snop  }
0x6: {  	_ = 	snop  }
0x7: {  	_ = 	snop  }
__scs_overlays_trampoline_lowered:
0x8: {  	[smem:$0x3FAB] =	sst s0  }
0x9: {  	[smem:$0x3FAC] =	sst s1  }
0xa: {  	[smem:$0x3FAD] =	sst s2  }
0xb: {  	[smem:$0x3FAE] =	sst s3  }
0xc: {  	[smem:$0x3FAF] =	sst s4  }
0xd: {  	[smem:$0x3FB0] =	sst s5  }
0xe: {  	[smem:$0x3FB1] =	sst s6  }
0xf: {  	[smem:$0x3FB2] =	sst s7  }
0x10: {  	[smem:$0x3FB3] =	sst s8  }
0x11: {  	[smem:$0x3FB4] =	sst s9;
	s0 =	simm.s32 @!p0 $0x0  }
0x12: {  	s1 =	sld [smem:$0x3F9A];
	s0 =	simm.s32 @p0 $0x1  }
0x13: {  	[smem:$0x3FB5] =	sst s0;
	s0 =	simm.s32 @!p1 $0x0  }
0x14: {  	s2 =	sld [smem:$0x3F99];
	s0 =	simm.s32 @p1 $0x1  }
0x15: {  	[smem:$0x3FB6] =	sst s0;
	s0 =	simm.s32 @!p2 $0x0  }
0x16: {  	s3 =	sld [smem:$0x3FDB];
	s0 =	simm.s32 @p2 $0x1  }
0x17: {  	s4 =	simm.s32 $0x1BF5;
	[smem:$0x3FB8] =	sst s0  }
0x18: {  	s0 =	sld [smem:$0x3F9B];
	_ =	swait.ge [sflag:s4], $0x0  }
0x19: {  	s7 =	sld [smem:$0x3F9C]  }
0x1a: {  	s8 =	sadd.s32 $0xFFFFE003, lr  }
0x1b: {  	s9 =	sadd.s32 $0xFFFFFEF7, lr;
	s5 =	simm.s32 $0xFFFFFFFF;
	p2 =	slt.u32 s8, $0xFFFFF086  }
0x1c: {  	p1 =	slt.u32 s9, $0xF7A;
	s5 =	simm.s32 @!p2 $0x0  }
0x1d: {  	s5 =	simm.s32 @p1 $0x1;
	p0 =	seq.s32 s7, s2  }
0x1e: {  	s7 =	smul.u32 @!p0 $0xF7A, s2;
	p2 =	seq.s32 @!p0 s5, $0x0  }
0x1f: {  	s9 =	smul.u32 $0xF7A, s1;
	s8 =	simm.s32 @!p0 $0x1BF5;
	p2 =	por !p2, p0  }
0x20: {  	[sflag:s8] =	ssyncset.s32 @!p0 $0xFFFFF086;
	s6 =	sadd.s32 @!p0 s3, s7;
	s7 =	simm.s32 @!p0 $0x108  }
0x21: {  	s3 =	sadd.s32 s3, s9;
	s6 =	sadd.s32 @!p0 $0x88, s6;
	s7 =	simm.s32 @p2 $0x1082  }
0x22: {  	[simem:s7], [sflag:s8] =	dma.local @!p0 [hbm:s6], $0xF7A  }
0x23: {  	s9 =	sor.u32 $0xD0000000, s2;
	s6 =	simm.s32 $0x108;
	_ =	swait.ge @!p0 [sflag:s8], $0x0  }
0x24: {  	s3 =	sadd.s32 $0x88, s3;
	s6 =	simm.s32 @!p1 $0x1082;
	[sflag:s4] =	ssyncset.s32 $0xFFFFF086  }
0x25: {  	[simem:s6], [sflag:s4] =	dma.local [hbm:s3], $0xF7A  }
0x26: {  	[smem:$0x3F9C] =	sst s1;
	(tag) =	ssettag s2;
	_ =	strace s9  }
0x27: {  	s1 =	sld [smem:$0x3FAC]  }
0x28: {  	s2 =	sld [smem:$0x3FAD]  }
0x29: {  	s4 =	sld [smem:$0x3FAF]  }
0x2a: {  	p0 =	seq.s32 s5, $0x0;
	s5 =	sld [smem:$0x3FB0]  }
0x2b: {  	s6 =	sld [smem:$0x3FB1]  }
0x2c: {  	s7 =	sld [smem:$0x3FB2]  }
0x2d: {  	s3 =	simm.s32 $0x108;
	s8 =	sld [smem:$0x3FB3]  }
0x2e: {  	s3 =	simm.s32 @!p0 $0x1082;
	s9 =	sld [smem:$0x3FB4]  }
0x2f: {  	lr =	sadd.s32 s0, s3;
	s0 =	sld [smem:$0x3FAB]  }
0x30: {  	s3 =	sld [smem:$0x3FAE]  }
0x31: {  	[smem:$0x3FB7] =	sst s10  }
0x32: {  	s10 =	sld [smem:$0x3FB5];
	_ =	sdelay $0x3  }
0x33: {  	p0 =	seq.s32 s10, $0x1;
	s10 =	sld [smem:$0x3FB7];
	_ =	sdelay $0x3  }
0x34: {  	[smem:$0x3FB7] =	sst s10  }
0x35: {  	s10 =	sld [smem:$0x3FB6];
	_ =	sdelay $0x3  }
0x36: {  	p1 =	seq.s32 s10, $0x1;
	s10 =	sld [smem:$0x3FB7];
	_ =	sdelay $0x3  }
0x37: {  	[smem:$0x3FB7] =	sst s10  }
0x38: {  	s10 =	sld [smem:$0x3FB8]  }
0x39: {  	_ = 	snop;
	(pc) =	sbr.ind lr, $3  }
0x3a: {  	_ = 	snop  }
0x3b: {  	_ = 	snop  }
0x3c: {  	p2 =	seq.s32 s10, $0x1;
	s10 =	sld [smem:$0x3FB7]  }
0x3d: {  	_ =	shalt  }
0x3e: {  	_ =	shalt  }
0x3f: {  	_ =	shalt  }
0x40: {  	_ =	shalt  }
0x41: {  	_ =	shalt  }
0x42: {  	_ =	shalt  }
0x43: {  	_ =	shalt  }
0x44: {  	_ =	shalt  }
0x45: {  	_ =	shalt  }
0x46: {  	_ =	shalt  }
0x47: {  	_ =	shalt  }
0x48: {  	_ =	shalt  }
0x49: {  	_ =	shalt  }
0x4a: {  	_ =	shalt  }
0x4b: {  	_ =	shalt  }
0x4c: {  	_ =	shalt  }
0x4d: {  	_ =	shalt  }
0x4e: {  	_ =	shalt  }
0x4f: {  	_ =	shalt  }
0x50: {  	_ =	shalt  }
0x51: {  	_ =	shalt  }
0x52: {  	_ =	shalt  }
0x53: {  	_ =	shalt  }
0x54: {  	_ =	shalt  }
0x55: {  	_ =	shalt  }
0x56: {  	_ =	shalt  }
0x57: {  	_ =	shalt  }
0x58: {  	_ =	shalt  }
0x59: {  	_ =	shalt  }
0x5a: {  	_ =	shalt  }
0x5b: {  	_ =	shalt  }
0x5c: {  	_ =	shalt  }
0x5d: {  	_ =	shalt  }
0x5e: {  	_ =	shalt  }
0x5f: {  	_ =	shalt  }
0x60: {  	_ =	shalt  }
0x61: {  	_ =	shalt  }
0x62: {  	_ =	shalt  }
0x63: {  	_ =	shalt  }
0x64: {  	_ =	shalt  }
0x65: {  	_ =	shalt  }
0x66: {  	_ =	shalt  }
0x67: {  	_ =	shalt  }
0x68: {  	_ =	shalt  }
0x69: {  	_ =	shalt  }
0x6a: {  	_ =	shalt  }
0x6b: {  	_ =	shalt  }
0x6c: {  	_ =	shalt  }
0x6d: {  	_ =	shalt  }
0x6e: {  	_ =	shalt  }
0x6f: {  	_ =	shalt  }
0x70: {  	_ =	shalt  }
0x71: {  	_ =	shalt  }
0x72: {  	_ =	shalt  }
0x73: {  	_ =	shalt  }
0x74: {  	_ =	shalt  }
0x75: {  	_ =	shalt  }
0x76: {  	_ =	shalt  }
0x77: {  	_ =	shalt  }
0x78: {  	_ =	shalt  }
0x79: {  	_ =	shalt  }
0x7a: {  	_ =	shalt  }
0x7b: {  	_ =	shalt  }
0x7c: {  	_ =	shalt  }
0x7d: {  	_ =	shalt  }
0x7e: {  	_ =	shalt  }
0x7f: {  	_ =	shalt  }
0x80: {  	_ =	shalt  }
0x81: {  	_ =	shalt  }
0x82: {  	_ =	shalt  }
0x83: {  	_ =	shalt  }
0x84: {  	_ =	shalt  }
0x85: {  	_ =	shalt  }
0x86: {  	_ =	shalt  }
0x87: {  	_ =	shalt  }
.Lfunc_end0:
.L_simem_size_0:
called_computation_lowered:
.L_overlay_start_0:
0x88: {  	s2 =	sld [smem:$0x3FD9]  }
0x89: {  	s3 =	sld [smem:$0x3FFE];
	_ =	sdelay $0x1  }
0x8a: {  	s1 =	srdreg.scid  }
0x8b: {  	s0 =	sand.u32 $0x1, s1  }
0x8c: {  	s16 =	sshll.u32 s0, $0xA;
	s2 =	sadd.s32 s3, s2  }
0x8d: {  	s2 =	sadd.s32 s2, s16  }
0x8e: {  	[smem:$0x3FC3] =	sst s2  }
0x8f: {  	_ = 	snop  }
0x90: {  	(tm) =	ssettm $0x1  }
0x91: {  	s17 =	sld [smem:$0x3FFB];
	_ =	sdelay $0x3  }
0x92: {  	_ =	strace s17  }
0x93: {  	s2 =	sld [smem:$0x3FFC];
	_ =	sdelay $0x3  }
0x94: {  	_ =	strace s2  }
0x95: {  	s2 =	sld [smem:$0x3FFD];
	_ =	sdelay $0x3  }
0x96: {  	_ =	strace s2  }
0x97: {  	_ =	strace $0x8FFFFFFF  }
0x98: {  	s18 =	sld [smem:$0x3FDB];
	_ =	sdelay $0x1  }
0x99: {  	s19 =	simm.s32 $_scs_section_size  }
0x9a: {  	s4 =	simm.s32 $_size__tile_overlayer_lowered;
	s5 =	simm.s32 $_tile_overlayer_lowered  }
0x9b: {  	s22 =	simm.s32 $0x1BFF;
	s21 =	sshll.u32 s5, $0x1;
	s2 =	sadd.s32 s19, s18  }
0x9c: {  	s6 =	simm.s32 $0x0;
	s20 =	sshll.u32 s4, $0x1;
	s4 =	sadd.s32 s21, s2  }
0x9d: {  	[timem:s6], [sflag:s22] =	dma.local [hbm:s4], s20  }
0x9e: {  	_ =	swait.ge [sflag:s22], s20  }
0x9f: {  	s3 =	ssub.s32 $0x0, s20;
	[sflag:s22] =	ssyncset.done $0x0  }
0xa0: {  	[sflag:s22] =	ssyncadd.s32 s3;
	_ =	sdelay $0x1  }
0xa1: {  	s23 =	simm.s32 $0x1B8B  }
0xa2: {  	_ =	swait.ge [sflag:s23], $0x1  }
0xa3: {  	[sflag:s23] =	ssyncset.done $0x0  }
0xa4: {  	s25 =	simm.s32 $0x1B8E;
	s24 =	sld [smem:$0x3FFE];
	[sflag:s23] =	ssyncadd.s32 $0xFFFFFFFF  }
0xa5: {  	s26 =	simm.s32 $execute0_lowered;
	[smem:$0x3FD2] =	sst s25  }
0xa6: {  	s4 =	sshll.u32 s26, $0x1;
	_ =	strace $0x80000046;
	[dreg:$0x1] =	wrdreg $0xFFFFFFFF  }
0xa7: {  	s28 =	simm.s32 $_size_execute0_lowered;
	s2 =	sadd.s32 s2, s4;
	[dreg:$0x0] =	wrdreg $0x0  }
0xa8: {  	s4 =	sshll.u32 s28, $0x1;
	[dreg:$0x2] =	wrdreg s2  }
0xa9: {  	[dreg:$0x3] =	wrdreg s4  }
0xaa: {  	[dreg:$0x4] =	wrdreg $0xC0  }
0xab: {  	_ =	task [dreg:s6], $0x5FFFF  }
0xac: {  	[dreg:$0x1] =	wrdreg $0xFFFFFFFF  }
0xad: {  	[dreg:$0x0] =	wrdreg $0x60  }
0xae: {  	[dreg:$0x2] =	wrdreg s24  }
0xaf: {  	[dreg:$0x3] =	wrdreg $0x11A800  }
0xb0: {  	[dreg:$0x4] =	wrdreg $0x9  }
0xb1: {  	_ =	task.clear_ibuf [dreg:s6], $0x5FFFF;
	_ =	strace $0x90000046  }
0xb2: {  	s29 =	simm.s32 $0x9;
	_ =	strace $0x80000048  }
0xb3: {  	_ =	swait.ge [sflag:s29], $0x1  }
0xb4: {  	[sflag:s29] =	ssyncadd.s32 $0xFFFFFFFF  }
0xb5: {  	_ =	strace $0x90000048  }
0xb6: {  	_ =	sfence  }
0xb7: {  	s30 =	sld [smem:$0x0];
	_ =	sdelay $0x2  }
0xb8: {  	s31 =	sshll.u32 s1, $0xD;
	s1 =	sshrl.u32 s1, $0x2  }
0xb9: {  	s3 =	sand.u32 $0x4000, s31;
	s1 =	sadd.s32 s1, s30  }
0xba: {  	s0 =	sor.u32 s3, s0;
	s1 =	sshll.u32 s1, $0x11  }
0xbb: {  	s0 =	sor.u32 s1, s0  }
0xbc: {  	s0 =	sadd.s32 $0x8F2B, s0  }
0xbd: {  	[sflag:s0] =	ssyncadd.remote.s32 $0x1  }
0xbe: {  	_ =	sfence.sel $0xFFFF  }
0xbf: {  	[dreg:$0x0] =	wrdreg $0xFFFFFFFF;
	(pc) =	sbr.abs _section_cstart, $3  }
0xc0: {  	[dreg:$0x1] =	wrdreg $0xFFFFFFFF  }
0xc1: {  	_ =	task.clear_ibuf [dreg:s6], $0x2FFFF;
	_ =	strace $0x9FFFFFFF  }
0xc2: {  	(tm) =	ssettm $0x7FFFFFFF  }
0xc3: {  	_ =	shalt  }
tec
execute0_lowered:
.L_overlay_start_1:
0x0: {  	(tag) =	ssettag $0x1  }
0x1: {  	s5 =	rddreg [dreg:$0x0]  }
0x2: {  	s2 =	rddreg [dreg:$0x1];
	s1 =	stileid.u32  }
0x3: {  	s0 =	rddreg [dreg:$0x2];
	s6 =	smul.u32 $0x9E00, s1  }
0x4: {  	s4 =	srdreg.scid;
	s3 =	simm.s32 $0x0;
	s8 =	smul.u32 $0x13C0, s1  }
0x5: {  	s17 =	simm.s32 $0x9D80;
	s18 =	simm.s32 $0x1;
	s13 =	smul.u32 $0x50, s1  }
0x6: {  	s19 =	simm.s32 $0x0;
	s7 =	sand.u32 $0x1, s4;
	s25 =	smul.u32 $0x9D80, s1  }
0x7: {  	[smem:$0x7FF] =	sst s3;
	s4 =	sadd.s32 $0x51C00, s5;
	s28 =	smul.u32 $0x13B0, s1  }
0x8: {  	s11 =	sadd.s32 $0x2A600, s5;
	s14 =	sadd.s32 $0x16A00, s5;
	s9 =	smul.u32 $0x13C00, s7  }
0x9: {  	s24 =	sshll.u32 s1, $0x6;
	s10 =	smul.u32 $0x500, s7;
	s7 =	ssub.s32 $0x2, s7  }
0xa: {  	_ =	strace $0x80000047;
	s12 =	sshrl.u32 s6, $0x3;
	s21 =	sshrl.u32 s7, $0x1  }
0xb: {  	s16 =	sadd.s32 s6, s2;
	s6 =	sor.u32 $0x1C02, s24;
	s12 =	sadd.s32 s12, s5  }
0xc: {  	s8 =	sadd.s32 s8, s9;
	s10 =	sadd.s32 s13, s10;
	s15 =	ssub.s32 s7, s21  }
0xd: {  	s13 =	sshrl.u32 s16, $0x3;
	s16 =	simm.s32 $0x1F4;
	s23 =	smul.u32 $0x1F8, s10  }
0xe: {  	s22 =	sadd.s32 s8, s5;
	s5 =	sadd.s32 $0x78E00, s12;
	s26 =	smul.u32 $0x3F, s10  }
0xf: {  	s8 =	sshrl.u32 s25, $0x3;
	s12 =	smax.u32 s15, $0x1;
	s15 =	simm.s32 $0x4EC0  }
0x10: {  	s31 =	sadd.s32 s14, s8;
	s8 =	sadd.s32 s14, s28;
	s29 =	sshrl.u32 s23, $0x3  }
0x11: {  	s14 =	simm.s32 $0x2;
	s7 =	sadd.s32 s11, s26;
	s30 =	sadd.s32 s11, s29  }
0x12: {  	s10 =	sadd.s32 $0x9D8, s31;
	s11 =	sadd.s32 $0x8CA00, s22;
	s9 =	sadd.s32 $0x9D8, s30  }
.LBB2_1:
0x13: {  	[spmem:s13], [sflag:s6] =	dma.local [hbm:s5], $0x13C0  }
0x14: {  	_ =	swait.ge [sflag:s14], $0x13C0  }
0x15: {  	[sflag:s14] =	ssyncset.done $0x0  }
0x16: {  	[sflag:s14] =	ssyncadd.s32 $0xFFFFEC40  }
0x17: {  	[bflag:$0x0] =	sbarrier.arrive $0xFFFF  }
0x18: {  	[tilespmem:s3], [sflag:$0x2] =	stream.linear.gather [hbm4b:s7+s3], $0x4EC0, $0x38;
	[tilespmem:$0x1B880] =	vst v63  }
0x19: {  	_ =	swait.ge [sflag:s14], $0x4EC0  }
0x1a: {  	[sflag:s14] =	ssyncset.done $0x0  }
0x1b: {  	[sflag:s14] =	ssyncadd.s32 $0xFFFFB140  }
0x1c: {  	[tilespmem:s15], [sflag:$0x2] =	stream.linear.gather [hbm4b:s8+s3], $0x4EC0, $0x38;
	[tilespmem:$0x1B880] =	vst v63  }
0x1d: {  	_ =	swait.ge [sflag:s14], $0x4EC0  }
0x1e: {  	[sflag:s14] =	ssyncset.done $0x0  }
0x1f: {  	s20 =	simm.s32 $0x0;
	[sflag:s14] =	ssyncadd.s32 $0xFFFFB140  }
0x20: {  	[tilespmem:s17], [sflag:$0x1] =	stream.indirect.gather [hbm4b:s4+s16], $0x40, s20, s16, $0xb8;
	[tilespmem:$0x1B880] =	vst v63  }
0x21: {  	_ =	swait.ge [sflag:s18], $0x7D00  }
0x22: {  	[sflag:s18] =	ssyncset.done $0x0  }
0x23: {  	s31 =	simm.s32 $0x4EC0;
	[sflag:s18] =	ssyncadd.s32 $0xFFFF8300  }
0x24: {  	[spmem:s2] =	stream.indirect.scatter.add.f32 [tilespmem:s17], [sflag:$0x2], $0x40, s31, s16, $0xb8;
	[tilespmem:$0x1B880] =	vst v63  }
0x25: {  	_ =	swait.ge [sflag:s14], $0x7D00  }
0x26: {  	s21 =	simm.s32 $0xFC0;
	s20 =	simm.s32 $0x7E0;
	[sflag:s14] =	ssyncset.done $0x0  }
.LBB2_2:
0x27: {  	s22 =	sshra.s32 s20, $0x2  }
0x28: {  	[sflag:s14] =	ssyncadd.s32 $0xFFFF8300;
	s20 =	smov.u32 s21;
	s23 =	sadd.s32 $0x7E0, s21  }
0x29: {  	[tilespmem:s17], [sflag:$0x1] =	stream.indirect.gather [hbm4b:s4+s16], $0x40, s22, s16, $0xb8;
	[tilespmem:$0x1B880] =	vst v63  }
0x2a: {  	p0 =	sne.s32 s21, $0x13320;
	_ =	swait.ge [sflag:s18], $0x7D00  }
.Ltmp0:
0x2b: {  	[sflag:s18] =	ssyncset.done $0x0;
	(pc) =	sbr.rel @p0 .LBB2_2-.Ltmp0, $4  }
0x2c: {  	s21 =	sadd.s32 $0x4EC0, s22;
	[sflag:s18] =	ssyncadd.s32 $0xFFFF8300  }
0x2d: {  	[spmem:s2] =	stream.indirect.scatter.add.f32 [tilespmem:s17], [sflag:$0x2], $0x40, s21, s16, $0xb8;
	[tilespmem:$0x1B880] =	vst v63  }
0x2e: {  	_ =	swait.ge [sflag:s14], $0x7D00  }
0x2f: {  	s21 =	smov.u32 s23;
	[sflag:s14] =	ssyncset.done $0x0  }
0x30: {  	s20 =	sshra.s32 s20, $0x2;
	[sflag:s14] =	ssyncadd.s32 $0xFFFF8300  }
0x31: {  	[tilespmem:s17], [sflag:$0x1] =	stream.indirect.gather [hbm4b:s4+s16], $0x40, s20, s16, $0xb8;
	[tilespmem:$0x1B880] =	vst v63  }
0x32: {  	_ =	swait.ge [sflag:s18], $0x7D00  }
0x33: {  	[sflag:s18] =	ssyncset.done $0x0  }
0x34: {  	s20 =	sadd.s32 $0x4EC0, s20;
	[sflag:s18] =	ssyncadd.s32 $0xFFFF8300  }
0x35: {  	[spmem:s2] =	stream.indirect.scatter.add.f32 [tilespmem:s17], [sflag:$0x2], $0x40, s20, s16, $0xb8;
	[tilespmem:$0x1B880] =	vst v63  }
0x36: {  	_ =	swait.ge [sflag:s14], $0x7D00  }
0x37: {  	[sflag:s14] =	ssyncset.done $0x0  }
0x38: {  	s29 =	simm.s32 $0x0;
	[sflag:s14] =	ssyncadd.s32 $0xFFFF8300  }
0x39: {  	[tilespmem:s29], [sflag:$0x2] =	stream.linear.gather [hbm4b:s9+s29], $0x4EC0, $0x38;
	[tilespmem:$0x1B880] =	vst v63  }
0x3a: {  	_ =	swait.ge [sflag:s14], $0x4EC0  }
0x3b: {  	[sflag:s14] =	ssyncset.done $0x0  }
0x3c: {  	[sflag:s14] =	ssyncadd.s32 $0xFFFFB140  }
0x3d: {  	[tilespmem:s15], [sflag:$0x2] =	stream.linear.gather [hbm4b:s10+s29], $0x4EC0, $0x38;
	[tilespmem:$0x1B880] =	vst v63  }
0x3e: {  	_ =	swait.ge [sflag:s14], $0x4EC0  }
0x3f: {  	[sflag:s14] =	ssyncset.done $0x0  }
0x40: {  	s30 =	simm.s32 $0x0;
	[sflag:s14] =	ssyncadd.s32 $0xFFFFB140  }
0x41: {  	[tilespmem:s17], [sflag:$0x1] =	stream.indirect.gather [hbm4b:s4+s16], $0x40, s30, s16, $0xb8;
	[tilespmem:$0x1B880] =	vst v63  }
0x42: {  	_ =	swait.ge [sflag:s18], $0x7D00  }
0x43: {  	[sflag:s18] =	ssyncset.done $0x0  }
0x44: {  	s31 =	simm.s32 $0x4EC0;
	[sflag:s18] =	ssyncadd.s32 $0xFFFF8300  }
0x45: {  	[spmem:s2] =	stream.indirect.scatter.add.f32 [tilespmem:s17], [sflag:$0x2], $0x40, s31, s16, $0xb8;
	[tilespmem:$0x1B880] =	vst v63  }
0x46: {  	_ =	swait.ge [sflag:s14], $0x7D00  }
0x47: {  	s21 =	simm.s32 $0xFC0;
	s20 =	simm.s32 $0x7E0;
	[sflag:s14] =	ssyncset.done $0x0  }
.LBB2_4:
0x48: {  	s22 =	sshra.s32 s20, $0x2  }
0x49: {  	[sflag:s14] =	ssyncadd.s32 $0xFFFF8300;
	s20 =	smov.u32 s21;
	s23 =	sadd.s32 $0x7E0, s21  }
0x4a: {  	[tilespmem:s17], [sflag:$0x1] =	stream.indirect.gather [hbm4b:s4+s16], $0x40, s22, s16, $0xb8;
	[tilespmem:$0x1B880] =	vst v63  }
0x4b: {  	p0 =	sne.s32 s21, $0x13320;
	_ =	swait.ge [sflag:s18], $0x7D00  }
.Ltmp1:
0x4c: {  	[sflag:s18] =	ssyncset.done $0x0;
	(pc) =	sbr.rel @p0 .LBB2_4-.Ltmp1, $4  }
0x4d: {  	s21 =	sadd.s32 $0x4EC0, s22;
	[sflag:s18] =	ssyncadd.s32 $0xFFFF8300  }
0x4e: {  	[spmem:s2] =	stream.indirect.scatter.add.f32 [tilespmem:s17], [sflag:$0x2], $0x40, s21, s16, $0xb8;
	[tilespmem:$0x1B880] =	vst v63  }
0x4f: {  	_ =	swait.ge [sflag:s14], $0x7D00  }
0x50: {  	s21 =	smov.u32 s23;
	[sflag:s14] =	ssyncset.done $0x0  }
0x51: {  	s20 =	sshra.s32 s20, $0x2;
	[sflag:s14] =	ssyncadd.s32 $0xFFFF8300  }
0x52: {  	[tilespmem:s17], [sflag:$0x1] =	stream.indirect.gather [hbm4b:s4+s16], $0x40, s20, s16, $0xb8;
	[tilespmem:$0x1B880] =	vst v63  }
0x53: {  	_ =	swait.ge [sflag:s18], $0x7D00  }
0x54: {  	[sflag:s18] =	ssyncset.done $0x0  }
0x55: {  	s20 =	sadd.s32 $0x4EC0, s20;
	[sflag:s18] =	ssyncadd.s32 $0xFFFF8300  }
0x56: {  	[spmem:s2] =	stream.indirect.scatter.add.f32 [tilespmem:s17], [sflag:$0x2], $0x40, s20, s16, $0xb8;
	[tilespmem:$0x1B880] =	vst v63  }
0x57: {  	_ =	swait.ge [sflag:s14], $0x7D00  }
0x58: {  	s19 =	sadd.s32 $0x1, s19;
	[sflag:s14] =	ssyncset.done $0x0  }
0x59: {  	p0 =	sne.s32 s19, s12;
	[sflag:s14] =	ssyncadd.s32 $0xFFFF8300  }
.Ltmp2:
0x5a: {  	[bflag:$0x0] =	sbarrier.arrive $0xFFFF;
	(pc) =	sbr.rel @p0 .LBB2_1-.Ltmp2, $4  }
0x5b: {  	[hbm:s11], [sflag:s6] =	dma.local [spmem:s13], $0x13C0  }
0x5c: {  	_ =	swait.ge [sflag:s14], $0x13C0  }
0x5d: {  	[sflag:s14] =	ssyncset.done $0x0  }
0x5e: {  	[sflag:s14] =	ssyncadd.s32 $0xFFFFEC40  }
0x5f: {  	_ =	sfence.sel $0x180000  }
0x60: {  	[bflag:$0x0] =	sbarrier.arrive $0xFFFF  }
0x61: {  	p0 =	sne.s32 s1, $0x0;
	_ =	strace $0x90000047  }
0x62: {  	s0 =	sadd.s32 @!p0 $0x100000, s0;
	[bflag:$0x2] =	sbarrier.arrive $0xFFFF  }
0x63: {  	[sflag:s0] =	ssyncadd.tile.s32 @!p0 $0x1;
	_ =	shalt  }
.Lfunc_end2:
_tile_overlayer_lowered:
.L_overlay_start_2:
0x64: {  	(tag) =	ssettag $0x2  }
0x65: {  	s0 =	rddreg [dreg:$0x0];
	s2 =	stileid.u32  }
0x66: {  	s1 =	rddreg [dreg:$0x1];
	p0 =	sne.s32 s2, $0x0  }
0x67: {  	s3 =	rddreg [dreg:$0x2];
	[bflag:$0x3] =	sbarrier.arrive $0xFFFF;
	s2 =	simm.s32 @!p0 $0x1C02  }
0x68: {  	[timem:s3], [sflag:s2] =	dma.local @!p0 [hbm:s0], s1  }
0x69: {  	s0 =	simm.s32 @!p0 $0x2  }
0x6a: {  	_ =	swait.ge @!p0 [sflag:s0], s1  }
0x6b: {  	s1 =	ssub.s32 @!p0 $0x0, s1;
	[sflag:s0] =	ssyncset.done @!p0 $0x0  }
0x6c: {  	[sflag:s0] =	ssyncadd.s32 @!p0 s1  }
0x6d: {  	[bflag:$0x3] =	sbarrier.arrive $0xFFFF  }
0x6e: {  	_ =	shalt  }

// kernel: kernel.9.cloned.1.call-start
scs
__scs_entry_jumppad:
0x0: {  	(pc) =	sbr.rel $0x88, $3  }
0x1: {  	(tag) =	ssettag $0x0;
	lr =	simm.s32 $0x1  }
0x2: {  	[smem:$0x3F9C] =	sst lr;
	_ =	strace $0xD0000000  }
0x3: {  	_ = 	snop  }
0x4: {  	_ = 	snop  }
0x5: {  	_ = 	snop  }
0x6: {  	_ = 	snop  }
0x7: {  	_ = 	snop  }
__scs_overlays_trampoline_lowered:
0x8: {  	[smem:$0x3FAB] =	sst s0  }
0x9: {  	[smem:$0x3FAC] =	sst s1  }
0xa: {  	[smem:$0x3FAD] =	sst s2  }
0xb: {  	[smem:$0x3FAE] =	sst s3  }
0xc: {  	[smem:$0x3FAF] =	sst s4  }
0xd: {  	[smem:$0x3FB0] =	sst s5  }
0xe: {  	[smem:$0x3FB1] =	sst s6  }
0xf: {  	[smem:$0x3FB2] =	sst s7  }
0x10: {  	[smem:$0x3FB3] =	sst s8  }
0x11: {  	[smem:$0x3FB4] =	sst s9;
	s0 =	simm.s32 @!p0 $0x0  }
0x12: {  	s1 =	sld [smem:$0x3F9A];
	s0 =	simm.s32 @p0 $0x1  }
0x13: {  	[smem:$0x3FB5] =	sst s0;
	s0 =	simm.s32 @!p1 $0x0  }
0x14: {  	s2 =	sld [smem:$0x3F99];
	s0 =	simm.s32 @p1 $0x1  }
0x15: {  	[smem:$0x3FB6] =	sst s0;
	s0 =	simm.s32 @!p2 $0x0  }
0x16: {  	s3 =	sld [smem:$0x3FDB];
	s0 =	simm.s32 @p2 $0x1  }
0x17: {  	s4 =	simm.s32 $0x1BF5;
	[smem:$0x3FB8] =	sst s0  }
0x18: {  	s0 =	sld [smem:$0x3F9B];
	_ =	swait.ge [sflag:s4], $0x0  }
0x19: {  	s7 =	sld [smem:$0x3F9C]  }
0x1a: {  	s8 =	sadd.s32 $0xFFFFE003, lr  }
0x1b: {  	s9 =	sadd.s32 $0xFFFFFEF7, lr;
	s5 =	simm.s32 $0xFFFFFFFF;
	p2 =	slt.u32 s8, $0xFFFFF086  }
0x1c: {  	p1 =	slt.u32 s9, $0xF7A;
	s5 =	simm.s32 @!p2 $0x0  }
0x1d: {  	s5 =	simm.s32 @p1 $0x1;
	p0 =	seq.s32 s7, s2  }
0x1e: {  	s7 =	smul.u32 @!p0 $0xF7A, s2;
	p2 =	seq.s32 @!p0 s5, $0x0  }
0x1f: {  	s9 =	smul.u32 $0xF7A, s1;
	s8 =	simm.s32 @!p0 $0x1BF5;
	p2 =	por !p2, p0  }
0x20: {  	[sflag:s8] =	ssyncset.s32 @!p0 $0xFFFFF086;
	s6 =	sadd.s32 @!p0 s3, s7;
	s7 =	simm.s32 @!p0 $0x108  }
0x21: {  	s3 =	sadd.s32 s3, s9;
	s6 =	sadd.s32 @!p0 $0x88, s6;
	s7 =	simm.s32 @p2 $0x1082  }
0x22: {  	[simem:s7], [sflag:s8] =	dma.local @!p0 [hbm:s6], $0xF7A  }
0x23: {  	s9 =	sor.u32 $0xD0000000, s2;
	s6 =	simm.s32 $0x108;
	_ =	swait.ge @!p0 [sflag:s8], $0x0  }
0x24: {  	s3 =	sadd.s32 $0x88, s3;
	s6 =	simm.s32 @!p1 $0x1082;
	[sflag:s4] =	ssyncset.s32 $0xFFFFF086  }
0x25: {  	[simem:s6], [sflag:s4] =	dma.local [hbm:s3], $0xF7A  }
0x26: {  	[smem:$0x3F9C] =	sst s1;
	(tag) =	ssettag s2;
	_ =	strace s9  }
0x27: {  	s1 =	sld [smem:$0x3FAC]  }
0x28: {  	s2 =	sld [smem:$0x3FAD]  }
0x29: {  	s4 =	sld [smem:$0x3FAF]  }
0x2a: {  	p0 =	seq.s32 s5, $0x0;
	s5 =	sld [smem:$0x3FB0]  }
0x2b: {  	s6 =	sld [smem:$0x3FB1]  }
0x2c: {  	s7 =	sld [smem:$0x3FB2]  }
0x2d: {  	s3 =	simm.s32 $0x108;
	s8 =	sld [smem:$0x3FB3]  }
0x2e: {  	s3 =	simm.s32 @!p0 $0x1082;
	s9 =	sld [smem:$0x3FB4]  }
0x2f: {  	lr =	sadd.s32 s0, s3;
	s0 =	sld [smem:$0x3FAB]  }
0x30: {  	s3 =	sld [smem:$0x3FAE]  }
0x31: {  	[smem:$0x3FB7] =	sst s10  }
0x32: {  	s10 =	sld [smem:$0x3FB5];
	_ =	sdelay $0x3  }
0x33: {  	p0 =	seq.s32 s10, $0x1;
	s10 =	sld [smem:$0x3FB7];
	_ =	sdelay $0x3  }
0x34: {  	[smem:$0x3FB7] =	sst s10  }
0x35: {  	s10 =	sld [smem:$0x3FB6];
	_ =	sdelay $0x3  }
0x36: {  	p1 =	seq.s32 s10, $0x1;
	s10 =	sld [smem:$0x3FB7];
	_ =	sdelay $0x3  }
0x37: {  	[smem:$0x3FB7] =	sst s10  }
0x38: {  	s10 =	sld [smem:$0x3FB8]  }
0x39: {  	_ = 	snop;
	(pc) =	sbr.ind lr, $3  }
0x3a: {  	_ = 	snop  }
0x3b: {  	_ = 	snop  }
0x3c: {  	p2 =	seq.s32 s10, $0x1;
	s10 =	sld [smem:$0x3FB7]  }
0x3d: {  	_ =	shalt  }
0x3e: {  	_ =	shalt  }
0x3f: {  	_ =	shalt  }
0x40: {  	_ =	shalt  }
0x41: {  	_ =	shalt  }
0x42: {  	_ =	shalt  }
0x43: {  	_ =	shalt  }
0x44: {  	_ =	shalt  }
0x45: {  	_ =	shalt  }
0x46: {  	_ =	shalt  }
0x47: {  	_ =	shalt  }
0x48: {  	_ =	shalt  }
0x49: {  	_ =	shalt  }
0x4a: {  	_ =	shalt  }
0x4b: {  	_ =	shalt  }
0x4c: {  	_ =	shalt  }
0x4d: {  	_ =	shalt  }
0x4e: {  	_ =	shalt  }
0x4f: {  	_ =	shalt  }
0x50: {  	_ =	shalt  }
0x51: {  	_ =	shalt  }
0x52: {  	_ =	shalt  }
0x53: {  	_ =	shalt  }
0x54: {  	_ =	shalt  }
0x55: {  	_ =	shalt  }
0x56: {  	_ =	shalt  }
0x57: {  	_ =	shalt  }
0x58: {  	_ =	shalt  }
0x59: {  	_ =	shalt  }
0x5a: {  	_ =	shalt  }
0x5b: {  	_ =	shalt  }
0x5c: {  	_ =	shalt  }
0x5d: {  	_ =	shalt  }
0x5e: {  	_ =	shalt  }
0x5f: {  	_ =	shalt  }
0x60: {  	_ =	shalt  }
0x61: {  	_ =	shalt  }
0x62: {  	_ =	shalt  }
0x63: {  	_ =	shalt  }
0x64: {  	_ =	shalt  }
0x65: {  	_ =	shalt  }
0x66: {  	_ =	shalt  }
0x67: {  	_ =	shalt  }
0x68: {  	_ =	shalt  }
0x69: {  	_ =	shalt  }
0x6a: {  	_ =	shalt  }
0x6b: {  	_ =	shalt  }
0x6c: {  	_ =	shalt  }
0x6d: {  	_ =	shalt  }
0x6e: {  	_ =	shalt  }
0x6f: {  	_ =	shalt  }
0x70: {  	_ =	shalt  }
0x71: {  	_ =	shalt  }
0x72: {  	_ =	shalt  }
0x73: {  	_ =	shalt  }
0x74: {  	_ =	shalt  }
0x75: {  	_ =	shalt  }
0x76: {  	_ =	shalt  }
0x77: {  	_ =	shalt  }
0x78: {  	_ =	shalt  }
0x79: {  	_ =	shalt  }
0x7a: {  	_ =	shalt  }
0x7b: {  	_ =	shalt  }
0x7c: {  	_ =	shalt  }
0x7d: {  	_ =	shalt  }
0x7e: {  	_ =	shalt  }
0x7f: {  	_ =	shalt  }
0x80: {  	_ =	shalt  }
0x81: {  	_ =	shalt  }
0x82: {  	_ =	shalt  }
0x83: {  	_ =	shalt  }
0x84: {  	_ =	shalt  }
0x85: {  	_ =	shalt  }
0x86: {  	_ =	shalt  }
0x87: {  	_ =	shalt  }
.Lfunc_end0:
.L_simem_size_0:
called_computation.1_lowered:
.L_overlay_start_0:
0x88: {  	s2 =	sld [smem:$0x3FD9]  }
0x89: {  	s3 =	sld [smem:$0x3FFE];
	_ =	sdelay $0x1  }
0x8a: {  	s1 =	srdreg.scid  }
0x8b: {  	s0 =	sand.u32 $0x1, s1  }
0x8c: {  	s17 =	sshll.u32 s0, $0xA;
	s2 =	sadd.s32 s3, s2  }
0x8d: {  	s2 =	sadd.s32 s2, s17  }
0x8e: {  	[smem:$0x3FC3] =	sst s2  }
0x8f: {  	_ = 	snop  }
0x90: {  	s2 =	sld [smem:$0x3FD0];
	(tm) =	ssettm $0x1  }
0x91: {  	s18 =	sld [smem:$0x3FFB];
	_ =	sdelay $0x3  }
0x92: {  	_ =	strace s18  }
0x93: {  	s3 =	sld [smem:$0x3FFC];
	_ =	sdelay $0x3  }
0x94: {  	_ =	strace s3  }
0x95: {  	s3 =	sld [smem:$0x3FFD];
	_ =	sdelay $0x3  }
0x96: {  	_ =	strace s3  }
0x97: {  	_ =	strace $0x8FFFFFFF  }
0x98: {  	s19 =	sld [smem:$0x3FDB];
	_ =	sdelay $0x1  }
0x99: {  	s4 =	simm.s32 $_scs_section_size  }
0x9a: {  	s5 =	simm.s32 $_size__tile_overlayer_lowered;
	s6 =	simm.s32 $_tile_overlayer_lowered  }
0x9b: {  	s22 =	simm.s32 $0x1BFF;
	s21 =	sshll.u32 s6, $0x1;
	s3 =	sadd.s32 s4, s19  }
0x9c: {  	s7 =	simm.s32 $0x0;
	s20 =	sshll.u32 s5, $0x1;
	s5 =	sadd.s32 s21, s3  }
0x9d: {  	[timem:s7], [sflag:s22] =	dma.local [hbm:s5], s20  }
0x9e: {  	_ =	swait.ge [sflag:s22], s20  }
0x9f: {  	s4 =	ssub.s32 $0x0, s20;
	[sflag:s22] =	ssyncset.done $0x0  }
0xa0: {  	[sflag:s22] =	ssyncadd.s32 s4;
	_ =	sdelay $0x1  }
0xa1: {  	s23 =	simm.s32 $0x1B8B  }
0xa2: {  	_ =	swait.ge [sflag:s23], $0x1  }
0xa3: {  	[sflag:s23] =	ssyncset.done $0x0  }
0xa4: {  	s25 =	simm.s32 $0x1B8E;
	s24 =	sld [smem:$0x3FFE];
	[sflag:s23] =	ssyncadd.s32 $0xFFFFFFFF  }
0xa5: {  	s26 =	simm.s32 $execute0_lowered;
	[smem:$0x3FD2] =	sst s25  }
0xa6: {  	s5 =	sshll.u32 s26, $0x1;
	_ =	strace $0x80000049;
	[dreg:$0x1] =	wrdreg $0xFFFFFFFF  }
0xa7: {  	s28 =	simm.s32 $_size_execute0_lowered;
	s3 =	sadd.s32 s3, s5;
	[dreg:$0x0] =	wrdreg $0x0  }
0xa8: {  	s5 =	sshll.u32 s28, $0x1;
	[dreg:$0x2] =	wrdreg s3  }
0xa9: {  	[dreg:$0x3] =	wrdreg s5  }
0xaa: {  	[dreg:$0x4] =	wrdreg $0xC0  }
0xab: {  	_ =	task [dreg:s7], $0x5FFFF  }
0xac: {  	[dreg:$0x1] =	wrdreg $0xFFFFFFFF  }
0xad: {  	[dreg:$0x0] =	wrdreg $0x60  }
0xae: {  	[dreg:$0x2] =	wrdreg s24  }
0xaf: {  	[dreg:$0x3] =	wrdreg s2  }
0xb0: {  	[dreg:$0x4] =	wrdreg $0x9  }
0xb1: {  	_ =	task.clear_ibuf [dreg:s7], $0x5FFFF;
	_ =	strace $0x90000049  }
0xb2: {  	s29 =	simm.s32 $0x9;
	_ =	strace $0x8000004B  }
0xb3: {  	_ =	swait.ge [sflag:s29], $0x1  }
0xb4: {  	[sflag:s29] =	ssyncadd.s32 $0xFFFFFFFF  }
0xb5: {  	_ =	strace $0x9000004B  }
0xb6: {  	_ =	sfence  }
0xb7: {  	s30 =	sld [smem:$0x0];
	_ =	sdelay $0x2  }
0xb8: {  	s31 =	sshll.u32 s1, $0xD;
	s1 =	sshrl.u32 s1, $0x2  }
0xb9: {  	s3 =	sand.u32 $0x4000, s31;
	s1 =	sadd.s32 s1, s30  }
0xba: {  	s0 =	sor.u32 s3, s0;
	s1 =	sshll.u32 s1, $0x11  }
0xbb: {  	s0 =	sor.u32 s1, s0  }
0xbc: {  	s0 =	sadd.s32 $0x8F2B, s0  }
0xbd: {  	[sflag:s0] =	ssyncadd.remote.s32 $0x1  }
0xbe: {  	_ =	sfence.sel $0xFFFF  }
0xbf: {  	[dreg:$0x0] =	wrdreg $0xFFFFFFFF;
	(pc) =	sbr.abs _section_cstart, $3  }
0xc0: {  	[dreg:$0x1] =	wrdreg $0xFFFFFFFF  }
0xc1: {  	_ =	task.clear_ibuf [dreg:s7], $0x2FFFF;
	_ =	strace $0x9FFFFFFF  }
0xc2: {  	(tm) =	ssettm $0x7FFFFFFF  }
0xc3: {  	_ =	shalt  }
tec
execute0_lowered:
.L_overlay_start_1:
0x0: {  	(tag) =	ssettag $0x1  }
0x1: {  	s0 =	rddreg [dreg:$0x0]  }
0x2: {  	s1 =	rddreg [dreg:$0x1]  }
0x3: {  	s2 =	srdreg.scid;
	s12 =	stileid.u32  }
0x4: {  	s16 =	simm.s32 $0x4E20;
	s17 =	simm.s32 $0x190;
	s18 =	simm.s32 $0x1  }
0x5: {  	s19 =	simm.s32 $0x3;
	s20 =	simm.s32 $0x11620;
	s21 =	simm.s32 $0x2  }
0x6: {  	s22 =	simm.s32 $0x4;
	s28 =	simm.s32 $0x0;
	s8 =	sand.u32 $0x1, s2  }
0x7: {  	s2 =	simm.s32 $0x0;
	s4 =	sadd.s32 $0x16A00, s0;
	s10 =	smul.u32 $0x2710, s12  }
0x8: {  	s13 =	sadd.s32 $0xB4200, s0;
	s15 =	smul.u32 $0x27100, s12;
	s3 =	sshll.u32 s8, $0x4  }
0x9: {  	[smem:$0x7FF] =	sst s2;
	s24 =	ssub.s32 $0x2, s8;
	s9 =	smul.u32 $0x27100, s8  }
0xa: {  	s14 =	smul.u32 $0x271000, s8;
	s5 =	sor.u32 s12, s3;
	_ =	strace $0x8000004A  }
0xb: {  	s3 =	sadd.s32 $0x3E200, s0;
	s25 =	sshrl.u32 s24, $0x1;
	s6 =	smul.u32 $0x2710, s5  }
0xc: {  	s7 =	smul.u32 $0x138800, s5;
	s11 =	ssub.s32 s24, s25;
	s9 =	sadd.s32 s10, s9  }
0xd: {  	s30 =	sadd.s32 s14, s1;
	s31 =	sadd.s32 s14, s13;
	s14 =	simm.s32 $0x7  }
0xe: {  	s24 =	simm.s32 $0x6;
	s9 =	sshll.u32 s9, $0x4;
	s12 =	sadd.s32 s15, s30  }
0xf: {  	s23 =	sshrl.u32 s6, $0x3;
	s7 =	sshrl.u32 s7, $0x3;
	s29 =	sadd.s32 $0x1900, s9  }
0x10: {  	s9 =	smax.u32 s11, $0x1;
	s0 =	sadd.s32 s23, s0;
	s26 =	sadd.s32 $0x25800, s7  }
0x11: {  	s10 =	sadd.s32 s29, s13;
	s11 =	sadd.s32 s29, s1;
	s23 =	simm.s32 $0x5  }
0x12: {  	s5 =	sadd.s32 $0xCC00, s0;
	s6 =	sadd.s32 $0x2E00, s0;
	s7 =	sadd.s32 s13, s26  }
0x13: {  	s8 =	sadd.s32 s1, s26;
	s13 =	sadd.s32 s15, s31;
	s26 =	simm.s32 $0x4C90  }
.LBB2_1:
0x14: {  	[tilespmem:s2], [sflag:$0x7] =	stream.linear.gather [hbm4b:s5+s2], $0x2710, $0x38;
	[tilespmem:$0x1DE20] =	vst v63  }
0x15: {  	_ =	swait.ge [sflag:s14], $0x2710  }
0x16: {  	[sflag:s14] =	ssyncset.done $0x0  }
0x17: {  	s0 =	simm.s32 $0x2710;
	[sflag:s14] =	ssyncadd.s32 $0xFFFFD8F0  }
0x18: {  	[tilespmem:s0], [sflag:$0x7] =	stream.linear.gather [hbm4b:s6+s2], $0x2710, $0x38;
	[tilespmem:$0x1DE20] =	vst v63  }
0x19: {  	_ =	swait.ge [sflag:s14], $0x2710  }
0x1a: {  	[sflag:s14] =	ssyncset.done $0x0  }
0x1b: {  	s25 =	sadd.s32 $0x0, s13;
	[sflag:s14] =	ssyncadd.s32 $0xFFFFD8F0  }
0x1c: {  	[tilespmem:s16], [sflag:$0x7] =	stream.linear.gather [hbm4b:s25+s2], $0xC800, $0x38;
	[tilespmem:$0x1DE20] =	vst v63  }
0x1d: {  	_ =	swait.ge [sflag:s14], $0xC800  }
0x1e: {  	[sflag:s14] =	ssyncset.done $0x0  }
0x1f: {  	s1 =	simm.s32 $0x0;
	[sflag:s14] =	ssyncadd.s32 $0xFFFF3800  }
0x20: {  	[tilespmem:s16], [sflag:$0x1] =	stream.indirect.gather.add.f32 [hbm:s3], $0x80, s1, s17, $0xb8;
	[tilespmem:$0x1DE20] =	vst v63  }
0x21: {  	_ =	swait.ge [sflag:s18], $0xC800  }
0x22: {  	[sflag:s18] =	ssyncset.done $0x0  }
0x23: {  	s15 =	simm.s32 $0x2710;
	[sflag:s18] =	ssyncadd.s32 $0xFFFF3800  }
0x24: {  	[tilespmem:s16], [sflag:$0x3] =	stream.indirect.gather.add.f32 [hbm:s4], $0x80, s15, s17, $0xb8;
	[tilespmem:$0x1DE20] =	vst v63  }
0x25: {  	_ =	swait.ge [sflag:s19], $0xC800  }
0x26: {  	[sflag:s19] =	ssyncset.done $0x0  }
0x27: {  	s25 =	sadd.s32 $0x0, s12;
	[sflag:s19] =	ssyncadd.s32 $0xFFFF3800  }
0x28: {  	[hbm4b:s25+s2] =	stream.linear.scatter [tilespmem:s16], [sflag:$0x5], $0xC800, $0x38;
	[tilespmem:$0x1DE20] =	vst v63  }
0x29: {  	s1 =	sadd.s32 $0x0, s10  }
0x2a: {  	[tilespmem:s20], [sflag:$0x7] =	stream.linear.gather [hbm4b:s1+s2], $0xC800, $0x38;
	[tilespmem:$0x1DE20] =	vst v63  }
0x2b: {  	_ =	swait.ge [sflag:s14], $0xC800  }
0x2c: {  	[sflag:s14] =	ssyncset.done $0x0  }
0x2d: {  	[sflag:s14] =	ssyncadd.s32 $0xFFFF3800  }
0x2e: {  	[tilespmem:s20], [sflag:$0x2] =	stream.indirect.gather.add.f32 [hbm:s3], $0x80, s17, s17, $0xb8;
	[tilespmem:$0x1DE20] =	vst v63  }
0x2f: {  	_ =	swait.ge [sflag:s21], $0xC800  }
0x30: {  	[sflag:s21] =	ssyncset.done $0x0  }
0x31: {  	s15 =	simm.s32 $0x28A0;
	[sflag:s21] =	ssyncadd.s32 $0xFFFF3800  }
0x32: {  	[tilespmem:s20], [sflag:$0x4] =	stream.indirect.gather.add.f32 [hbm:s4], $0x80, s15, s17, $0xb8;
	[tilespmem:$0x1DE20] =	vst v63  }
0x33: {  	_ =	swait.ge [sflag:s22], $0xC800  }
0x34: {  	[sflag:s22] =	ssyncset.done $0x0  }
0x35: {  	s25 =	sadd.s32 $0x0, s11;
	[sflag:s22] =	ssyncadd.s32 $0xFFFF3800  }
0x36: {  	[hbm4b:s25+s2] =	stream.linear.scatter [tilespmem:s20], [sflag:$0x6], $0xC800, $0x38;
	[tilespmem:$0x1DE20] =	vst v63  }
0x37: {  	_ =	swait.ge [sflag:s23], $0xC800  }
0x38: {  	[sflag:s23] =	ssyncset.done $0x0  }
0x39: {  	[sflag:s23] =	ssyncadd.s32 $0xFFFF3800  }
0x3a: {  	s29 =	simm.s32 $0x3200;
	s31 =	simm.s32 $0x4B0;
	_ =	swait.ge [sflag:s24], $0xC800  }
0x3b: {  	s30 =	simm.s32 $0x2BC0;
	s0 =	simm.s32 $0x6400;
	[sflag:s24] =	ssyncset.done $0x0  }
.LBB2_2:
0x3c: {  	s15 =	sadd.s32 s29, s13  }
0x3d: {  	[sflag:s24] =	ssyncadd.s32 $0xFFFF3800;
	s25 =	smov.u32 s0;
	s1 =	sadd.s32 $0x3200, s0  }
0x3e: {  	[tilespmem:s16], [sflag:$0x7] =	stream.linear.gather [hbm4b:s15+s2], $0xC800, $0x38;
	[tilespmem:$0x1DE20] =	vst v63  }
0x3f: {  	p0 =	sne.s32 s0, $0x22600;
	_ =	swait.ge [sflag:s14], $0xC800  }
0x40: {  	[sflag:s14] =	ssyncset.done $0x0  }
0x41: {  	s0 =	sadd.s32 $0xFFFFFE70, s31;
	[sflag:s14] =	ssyncadd.s32 $0xFFFF3800  }
0x42: {  	[tilespmem:s16], [sflag:$0x1] =	stream.indirect.gather.add.f32 [hbm:s3], $0x80, s0, s17, $0xb8;
	[tilespmem:$0x1DE20] =	vst v63  }
0x43: {  	_ =	swait.ge [sflag:s18], $0xC800  }
0x44: {  	[sflag:s18] =	ssyncset.done $0x0  }
0x45: {  	s0 =	sadd.s32 $0xFFFFFE70, s30;
	[sflag:s18] =	ssyncadd.s32 $0xFFFF3800  }
0x46: {  	[tilespmem:s16], [sflag:$0x3] =	stream.indirect.gather.add.f32 [hbm:s4], $0x80, s0, s17, $0xb8;
	[tilespmem:$0x1DE20] =	vst v63  }
0x47: {  	_ =	swait.ge [sflag:s19], $0xC800  }
0x48: {  	[sflag:s19] =	ssyncset.done $0x0  }
0x49: {  	s0 =	sadd.s32 s29, s12;
	[sflag:s19] =	ssyncadd.s32 $0xFFFF3800  }
0x4a: {  	[hbm4b:s0+s2] =	stream.linear.scatter [tilespmem:s16], [sflag:$0x5], $0xC800, $0x38;
	[tilespmem:$0x1DE20] =	vst v63  }
0x4b: {  	s0 =	sadd.s32 s29, s10  }
0x4c: {  	[tilespmem:s20], [sflag:$0x7] =	stream.linear.gather [hbm4b:s0+s2], $0xC800, $0x38;
	[tilespmem:$0x1DE20] =	vst v63  }
0x4d: {  	_ =	swait.ge [sflag:s14], $0xC800  }
0x4e: {  	[sflag:s14] =	ssyncset.done $0x0  }
0x4f: {  	[sflag:s14] =	ssyncadd.s32 $0xFFFF3800  }
0x50: {  	[tilespmem:s20], [sflag:$0x2] =	stream.indirect.gather.add.f32 [hbm:s3], $0x80, s31, s17, $0xb8;
	[tilespmem:$0x1DE20] =	vst v63  }
0x51: {  	_ =	swait.ge [sflag:s21], $0xC800  }
0x52: {  	[sflag:s21] =	ssyncset.done $0x0  }
0x53: {  	[sflag:s21] =	ssyncadd.s32 $0xFFFF3800  }
0x54: {  	[tilespmem:s20], [sflag:$0x4] =	stream.indirect.gather.add.f32 [hbm:s4], $0x80, s30, s17, $0xb8;
	[tilespmem:$0x1DE20] =	vst v63  }
0x55: {  	_ =	swait.ge [sflag:s22], $0xC800  }
0x56: {  	[sflag:s22] =	ssyncset.done $0x0  }
0x57: {  	s0 =	sadd.s32 s29, s11;
	s29 =	smov.u32 s25;
	[sflag:s22] =	ssyncadd.s32 $0xFFFF3800  }
0x58: {  	[hbm4b:s0+s2] =	stream.linear.scatter [tilespmem:s20], [sflag:$0x6], $0xC800, $0x38;
	[tilespmem:$0x1DE20] =	vst v63  }
.Ltmp0:
0x59: {  	_ =	swait.ge [sflag:s23], $0xC800;
	(pc) =	sbr.rel @p0 .LBB2_2-.Ltmp0, $4  }
0x5a: {  	[sflag:s23] =	ssyncset.done $0x0  }
0x5b: {  	[sflag:s23] =	ssyncadd.s32 $0xFFFF3800  }
0x5c: {  	s31 =	sadd.s32 $0x320, s31;
	_ =	swait.ge [sflag:s24], $0xC800  }
0x5d: {  	s30 =	sadd.s32 $0x320, s30;
	s0 =	smov.u32 s1;
	[sflag:s24] =	ssyncset.done $0x0  }
0x5e: {  	s0 =	sadd.s32 s29, s13;
	[sflag:s24] =	ssyncadd.s32 $0xFFFF3800  }
0x5f: {  	[tilespmem:s16], [sflag:$0x7] =	stream.linear.gather [hbm4b:s0+s2], $0xC800, $0x38;
	[tilespmem:$0x1DE20] =	vst v63  }
0x60: {  	_ =	swait.ge [sflag:s14], $0xC800  }
0x61: {  	[sflag:s14] =	ssyncset.done $0x0  }
0x62: {  	s25 =	sadd.s32 $0xFFFFFE70, s31;
	[sflag:s14] =	ssyncadd.s32 $0xFFFF3800  }
0x63: {  	[tilespmem:s16], [sflag:$0x1] =	stream.indirect.gather.add.f32 [hbm:s3], $0x80, s25, s17, $0xb8;
	[tilespmem:$0x1DE20] =	vst v63  }
0x64: {  	_ =	swait.ge [sflag:s18], $0xC800  }
0x65: {  	[sflag:s18] =	ssyncset.done $0x0  }
0x66: {  	s1 =	sadd.s32 $0xFFFFFE70, s30;
	[sflag:s18] =	ssyncadd.s32 $0xFFFF3800  }
0x67: {  	[tilespmem:s16], [sflag:$0x3] =	stream.indirect.gather.add.f32 [hbm:s4], $0x80, s1, s17, $0xb8;
	[tilespmem:$0x1DE20] =	vst v63  }
0x68: {  	_ =	swait.ge [sflag:s19], $0xC800  }
0x69: {  	[sflag:s19] =	ssyncset.done $0x0  }
0x6a: {  	s15 =	sadd.s32 s29, s12;
	[sflag:s19] =	ssyncadd.s32 $0xFFFF3800  }
0x6b: {  	[hbm4b:s15+s2] =	stream.linear.scatter [tilespmem:s16], [sflag:$0x5], $0xC800, $0x38;
	[tilespmem:$0x1DE20] =	vst v63  }
0x6c: {  	s25 =	sadd.s32 s29, s10  }
0x6d: {  	[tilespmem:s20], [sflag:$0x7] =	stream.linear.gather [hbm4b:s25+s2], $0xC800, $0x38;
	[tilespmem:$0x1DE20] =	vst v63  }
0x6e: {  	_ =	swait.ge [sflag:s14], $0xC800  }
0x6f: {  	[sflag:s14] =	ssyncset.done $0x0  }
0x70: {  	[sflag:s14] =	ssyncadd.s32 $0xFFFF3800  }
0x71: {  	[tilespmem:s20], [sflag:$0x2] =	stream.indirect.gather.add.f32 [hbm:s3], $0x80, s31, s17, $0xb8;
	[tilespmem:$0x1DE20] =	vst v63  }
0x72: {  	_ =	swait.ge [sflag:s21], $0xC800  }
0x73: {  	[sflag:s21] =	ssyncset.done $0x0  }
0x74: {  	[sflag:s21] =	ssyncadd.s32 $0xFFFF3800  }
0x75: {  	[tilespmem:s20], [sflag:$0x4] =	stream.indirect.gather.add.f32 [hbm:s4], $0x80, s30, s17, $0xb8;
	[tilespmem:$0x1DE20] =	vst v63  }
0x76: {  	_ =	swait.ge [sflag:s22], $0xC800  }
0x77: {  	[sflag:s22] =	ssyncset.done $0x0  }
0x78: {  	s30 =	sadd.s32 s29, s11;
	[sflag:s22] =	ssyncadd.s32 $0xFFFF3800  }
0x79: {  	[hbm4b:s30+s2] =	stream.linear.scatter [tilespmem:s20], [sflag:$0x6], $0xC800, $0x38;
	[tilespmem:$0x1DE20] =	vst v63  }
0x7a: {  	_ =	swait.ge [sflag:s23], $0xC800  }
0x7b: {  	[sflag:s23] =	ssyncset.done $0x0  }
0x7c: {  	[sflag:s23] =	ssyncadd.s32 $0xFFFF3800  }
0x7d: {  	_ =	swait.ge [sflag:s24], $0xC800  }
0x7e: {  	[sflag:s24] =	ssyncset.done $0x0  }
0x7f: {  	[sflag:s24] =	ssyncadd.s32 $0xFFFF3800  }
0x80: {  	[tilespmem:s16], [sflag:$0x7] =	stream.linear.gather [hbm4b:s7+s2], $0xC800, $0x38;
	[tilespmem:$0x1DE20] =	vst v63  }
0x81: {  	_ =	swait.ge [sflag:s14], $0xC800  }
0x82: {  	[sflag:s14] =	ssyncset.done $0x0  }
0x83: {  	s31 =	simm.s32 $0x2580;
	[sflag:s14] =	ssyncadd.s32 $0xFFFF3800  }
0x84: {  	[tilespmem:s16], [sflag:$0x1] =	stream.indirect.gather.add.f32 [hbm:s3], $0x80, s31, s17, $0xb8;
	[tilespmem:$0x1DE20] =	vst v63  }
0x85: {  	_ =	swait.ge [sflag:s18], $0xC800  }
0x86: {  	[sflag:s18] =	ssyncset.done $0x0  }
0x87: {  	[sflag:s18] =	ssyncadd.s32 $0xFFFF3800  }
0x88: {  	[tilespmem:s16], [sflag:$0x3] =	stream.indirect.gather.add.f32 [hbm:s4], $0x80, s26, s17, $0xb8;
	[tilespmem:$0x1DE20] =	vst v63  }
0x89: {  	s28 =	sadd.s32 $0x1, s28;
	_ =	swait.ge [sflag:s19], $0xC800  }
0x8a: {  	p0 =	sne.s32 s28, s9;
	[sflag:s19] =	ssyncset.done $0x0  }
.Ltmp1:
0x8b: {  	[sflag:s19] =	ssyncadd.s32 $0xFFFF3800;
	(pc) =	sbr.rel @p0 .LBB2_1-.Ltmp1, $4  }
0x8c: {  	[hbm4b:s8+s2] =	stream.linear.scatter [tilespmem:s16], [sflag:$0x7], $0xC800, $0x38;
	[tilespmem:$0x1DE20] =	vst v63  }
0x8d: {  	_ =	swait.ge [sflag:s14], $0xC800  }
0x8e: {  	[sflag:s14] =	ssyncset.done $0x0  }
0x8f: {  	[sflag:s14] =	ssyncadd.s32 $0xFFFF3800  }
0x90: {  	_ =	sfence.sel $0x180000  }
0x91: {  	[bflag:$0x0] =	sbarrier.arrive $0xFFFF  }
0x92: {  	_ =	strace $0x9000004A  }
0x93: {  	s0 =	stileid.u32;
	[bflag:$0x2] =	sbarrier.arrive $0xFFFF  }
0x94: {  	p0 =	sne.s32 s0, $0x0;
	s0 =	rddreg [dreg:$0x2]  }
0x95: {  	s0 =	sadd.s32 @!p0 $0x100000, s0  }
0x96: {  	[sflag:s0] =	ssyncadd.tile.s32 @!p0 $0x1;
	_ =	shalt  }
.Lfunc_end2:
_tile_overlayer_lowered:
.L_overlay_start_2:
0x97: {  	(tag) =	ssettag $0x2  }
0x98: {  	s0 =	rddreg [dreg:$0x0];
	s2 =	stileid.u32  }
0x99: {  	s1 =	rddreg [dreg:$0x1];
	p0 =	sne.s32 s2, $0x0  }
0x9a: {  	s3 =	rddreg [dreg:$0x2];
	[bflag:$0x3] =	sbarrier.arrive $0xFFFF;
	s2 =	simm.s32 @!p0 $0x1C07  }
0x9b: {  	[timem:s3], [sflag:s2] =	dma.local @!p0 [hbm:s0], s1  }
0x9c: {  	s0 =	simm.s32 @!p0 $0x7  }
0x9d: {  	_ =	swait.ge @!p0 [sflag:s0], s1  }
0x9e: {  	s1 =	ssub.s32 @!p0 $0x0, s1;
	[sflag:s0] =	ssyncset.done @!p0 $0x0  }
0x9f: {  	[sflag:s0] =	ssyncadd.s32 @!p0 s1  }
0xa0: {  	[bflag:$0x3] =	sbarrier.arrive $0xFFFF  }
0xa1: {  	_ =	shalt  }

</sc_bundles>
